<compile_context>
chip_gen: v7x
topology: tpu7x:2x2x1
jax: 0.10.2.dev20260603
libtpu: 0.0.44.dev20260713+nightly
codegen_flags: <defaults>
</compile_context>

<pallas_src>
import jax
import jax.numpy as jnp
from jax import lax
from jax.experimental import pallas as pl
from jax.experimental.pallas import tpu as pltpu
from jax.experimental.pallas import tpu_sc as plsc

_L = 16
_SEQ = 2048
_TILES_PER_ROW = 8
_CHUNK = _SEQ // _TILES_PER_ROW
_NSTREAM = 8
_SUBCHUNK = _CHUNK // _NSTREAM
_SUBGROUPS = _SUBCHUNK // _L
_ROW_LEN = 8192

def _permute(v, idx):
  return lax.gather(
      v, idx[:, None],
      lax.GatherDimensionNumbers(
          offset_dims=(), collapsed_slice_dims=(0,), start_index_map=(0,)),
      (1,), mode=lax.GatherScatterMode.PROMISE_IN_BOUNDS)


def _sc_body(xf_hbm, y_hbm, len_hbm, out_hbm,
             idx_v, vals_v, len_v, acc_v, all_v, out_v, shared,
             sems_g, sem_y0, sem_l):
  s = lax.axis_index("s")
  row = s // _TILES_PER_ROW
  base = pl.multiple_of((s % _TILES_PER_ROW) * _CHUNK, _CHUNK)
  rowbase = pl.multiple_of(row * _ROW_LEN, _ROW_LEN)
  x_row = xf_hbm.at[pl.ds(rowbase, _ROW_LEN)]

  cp_l = pltpu.async_copy(len_hbm, len_v, sem_l)
  cp_y = pltpu.async_copy(y_hbm.at[row, pl.ds(base, _CHUNK)], idx_v, sem_y0)
  cp_y.wait()
  gathers = [
      pltpu.async_copy(
          x_row.at[idx_v.at[pl.ds(j * _SUBCHUNK, _SUBCHUNK)]],
          vals_v.at[j], sems_g.at[j])
      for j in range(_NSTREAM)
  ]

  iota = lax.iota(jnp.int32, _L)
  cp_l.wait()
  lrow = _permute(len_v[...], jnp.zeros((_L,), jnp.int32) + row)

  acc = jnp.full((_L,), 1.0, jnp.float32)
  for j in range(_NSTREAM):
    gathers[j].wait()
    for g in range(_SUBGROUPS):
      vals = vals_v[j, pl.ds(g * _L, _L)]
      pos = base + (j * _SUBCHUNK + g * _L) + iota
      acc = acc * jnp.where(pos < lrow, 1.0 - vals, 1.0)

  for k in (1, 2, 4, 8):
    acc = acc * _permute(acc, iota ^ k)

  acc_v[...] = acc
  pltpu.sync_copy(acc_v, shared.at[s])
  plsc.subcore_barrier()

  @pl.when(s == 0)
  def _finalize():
    pltpu.sync_copy(shared, all_v)
    p0 = all_v[0, :]
    p1 = all_v[_TILES_PER_ROW, :]
    for t in range(1, _TILES_PER_ROW):
      p0 = p0 * all_v[t, :]
      p1 = p1 * all_v[_TILES_PER_ROW + t, :]
    out_v[...] = 2.0 - p0 - p1
    pltpu.sync_copy(out_v.at[pl.ds(0, 1)], out_hbm)


@jax.jit
def kernel(x, y, lengths):
  mesh = plsc.VectorSubcoreMesh(
      core_axis_name="c", subcore_axis_name="s", num_cores=1)
  out = pl.kernel(
      _sc_body,
      out_type=jax.ShapeDtypeStruct((1,), jnp.float32),
      mesh=mesh,
      compiler_params=pltpu.CompilerParams(needs_layout_passes=False),
      scratch_types=[
          pltpu.VMEM((_CHUNK,), jnp.int32),
          pltpu.VMEM((_NSTREAM, _SUBCHUNK), jnp.float32),
          pltpu.VMEM((_L,), jnp.int32),
          pltpu.VMEM((_L,), jnp.float32),
          pltpu.VMEM((_L, _L), jnp.float32),
          pltpu.VMEM((_L,), jnp.float32),
          pltpu.VMEM_SHARED((_L, _L), jnp.float32),
          pltpu.SemaphoreType.DMA((_NSTREAM,)),
          pltpu.SemaphoreType.DMA,
          pltpu.SemaphoreType.DMA,
      ],
  )(x.reshape(-1), y, lengths)
  return out

# --- scband reference (transcript-rebuilt; emitter-appended) ---
"""Pipeline reference for scband-sample-loss-5669356832499 (READ-ONLY COPY).

The authoritative reference and input builder live on the scoring server;
editing this copy changes nothing except your own understanding.
"""

import jax, jax.numpy as jnp
import numpy as np

def setup_inputs(seed: int = 0) -> dict:
    key = jax.random.key(seed)
    k1, k2, k3 = jax.random.split(key, 3)
    x = jax.random.uniform(k1, (16, 8192), dtype=jnp.float32)
    y = jax.random.randint(k2, (16, 2048), 0, 8192, dtype=jnp.int32)
    lengths = jax.random.randint(k3, (16,), 0, 2048, dtype=jnp.int32)
    return {"x": x, "y": y, "lengths": lengths}

def reference(x, y, lengths):
    # Faithful translation of Sample_loss.forward:
    # batch_size = len(lengths) // 8; for each i, gather x[i] at y[i][:lengths[i]],
    # take product of (1 - values), accumulate loss += 1 - prod; unsqueeze(0).
    batch_size = lengths.shape[0] // 8
    positions = jnp.arange(y.shape[1], dtype=lengths.dtype)
    loss = jnp.asarray(0.0, dtype=x.dtype)
    for i in range(batch_size):
        label_index = y[i]
        values = jnp.where(positions < lengths[i],
                           1 - x[i][label_index],
                           jnp.asarray(1.0, dtype=x.dtype))
        prod = jnp.prod(values)  # sequential elementwise multiply == product
        loss = loss + (1 - prod)
    return jnp.expand_dims(loss, 0)

if __name__ == "__main__":
    import jax
    _d = setup_inputs()
    print(jax.jit(kernel)(*tuple(_d.values())))

</pallas_src>

<mosaic_0001>
#map = affine_map<(d0, d1) -> (0)>
#map1 = affine_map<(d0, d1) -> (0, 0)>
module attributes {stable_mosaic.version = 14 : i64} {
  func.func @_sc_body(%arg0: i32, %arg1: i32, %arg2: memref<131072xf32, #tpu.memory_space<hbm>>, %arg3: memref<16x2048xi32, #tpu.memory_space<hbm>>, %arg4: memref<16xi32, #tpu.memory_space<hbm>>, %arg5: memref<1xf32, #tpu.memory_space<hbm>>, %arg6: memref<256xi32, #tpu.memory_space<vmem>>, %arg7: memref<8x32xf32, #tpu.memory_space<vmem>>, %arg8: memref<16xi32, #tpu.memory_space<vmem>>, %arg9: memref<16xf32, #tpu.memory_space<vmem>>, %arg10: memref<16x16xf32, #tpu.memory_space<vmem>>, %arg11: memref<16xf32, #tpu.memory_space<vmem>>, %arg12: memref<16x16xf32, #tpu.memory_space<vmem_shared>>, %arg13: memref<8x!tpu.dma_semaphore, #tpu.memory_space<semaphore_mem>>, %arg14: memref<!tpu.dma_semaphore, #tpu.memory_space<semaphore_mem>>, %arg15: memref<!tpu.dma_semaphore, #tpu.memory_space<semaphore_mem>>) attributes {dimension_semantics = [#tpu.dimension_semantics<core_parallel>, #tpu.dimension_semantics<subcore_parallel>], iteration_bounds = array<i64: 1, 16>, scalar_prefetch = 0 : i64, scratch_operands = 10 : i64, tpu.core_type = #tpu.core_type<sc_vector_subcore>, window_params = [{transform_indices = #map}, {transform_indices = #map1}, {transform_indices = #map}, {transform_indices = #map}]} {
    %jit3A = arith.constant 8 : i32
    %div3A = arith.divsi %arg1, %jit3A : i32
    %sign3A = arith.constant 0 : i32
    %sign3A_0 = arith.cmpi sgt, %arg1, %sign3A : i32
    %sign3A_1 = arith.extui %sign3A_0 : i1 to i32
    %sign3A_2 = arith.constant 0 : i32
    %sign3A_3 = arith.cmpi slt, %arg1, %sign3A_2 : i32
    %sign3A_4 = arith.extui %sign3A_3 : i1 to i32
    %sign3A_5 = arith.subi %sign3A_1, %sign3A_4 : i32
    %sign3A_6 = arith.constant 0 : i32
    %sign3A_7 = arith.cmpi sgt, %jit3A, %sign3A_6 : i32
    %sign3A_8 = arith.extui %sign3A_7 : i1 to i32
    %sign3A_9 = arith.constant 0 : i32
    %sign3A_10 = arith.cmpi slt, %jit3A, %sign3A_9 : i32
    %sign3A_11 = arith.extui %sign3A_10 : i1 to i32
    %sign3A_12 = arith.subi %sign3A_8, %sign3A_11 : i32
    %ne3A = arith.cmpi ne, %sign3A_5, %sign3A_12 : i32
    %rem3A = arith.remsi %arg1, %jit3A : i32
    %ne3A_13 = arith.constant 0 : i32
    %ne3A_14 = arith.cmpi ne, %rem3A, %ne3A_13 : i32
    %and3A = arith.andi %ne3A, %ne3A_14 : i1
    %sub3A = arith.constant 1 : i32
    %sub3A_15 = arith.subi %div3A, %sub3A : i32
    %select_n3A = arith.select %and3A, %sub3A_15, %div3A : i32
    %jit3A_16 = arith.constant 8 : i32
    %eq3A = arith.constant 0 : i32
    %eq3A_17 = arith.cmpi eq, %jit3A_16, %eq3A : i32
    %jit3A_18 = arith.constant 1 : i32
    %select_n3A_19 = arith.select %eq3A_17, %jit3A_18, %jit3A_16 : i32
    %rem3A_20 = arith.remsi %arg1, %select_n3A_19 : i32
    %ne3A_21 = arith.constant 0 : i32
    %ne3A_22 = arith.cmpi ne, %rem3A_20, %ne3A_21 : i32
    %lt3A = arith.constant 0 : i32
    %lt3A_23 = arith.cmpi slt, %rem3A_20, %lt3A : i32
    %lt3A_24 = arith.constant 0 : i32
    %lt3A_25 = arith.cmpi slt, %select_n3A_19, %lt3A_24 : i32
    %ne3A_26 = arith.xori %lt3A_23, %lt3A_25 : i1
    %and3A_27 = arith.andi %ne3A_26, %ne3A_22 : i1
    %add3A = arith.addi %rem3A_20, %select_n3A_19 : i32
    %select_n3A_28 = arith.select %and3A_27, %add3A, %rem3A_20 : i32
    %mul3A = arith.constant 256 : i32
    %mul3A_29 = arith.muli %select_n3A_28, %mul3A : i32
    %multiple_of3A = tpu.assume_multiple %mul3A_29, 256 : i32
    %mul3A_30 = arith.constant 8192 : i32
    %mul3A_31 = arith.muli %select_n3A, %mul3A_30 : i32
    %multiple_of3A_32 = tpu.assume_multiple %mul3A_31, 8192 : i32
    tpu.enqueue_dma source(%arg4 : memref<16xi32, #tpu.memory_space<hbm>>) target(%arg8 : memref<16xi32, #tpu.memory_space<vmem>>) target_semaphore(%arg15 : memref<!tpu.dma_semaphore, #tpu.memory_space<semaphore_mem>>)
    %dma_start3A = tpu.memref_slice %arg3[%select_n3A, %multiple_of3A] : memref<16x2048xi32, #tpu.memory_space<hbm>> -> memref<1x256xi32, #tpu.memory_space<hbm>>
    %dma_start3A_33 = tpu.memref_squeeze %dma_start3A : memref<1x256xi32, #tpu.memory_space<hbm>> -> memref<256xi32, #tpu.memory_space<hbm>>
    %dma_start3A_34 = tpu.memref_slice %arg3[%select_n3A, %multiple_of3A] : memref<16x2048xi32, #tpu.memory_space<hbm>> -> memref<1x256xi32, #tpu.memory_space<hbm>>
    %dma_start3A_35 = tpu.memref_squeeze %dma_start3A_34 : memref<1x256xi32, #tpu.memory_space<hbm>> -> memref<256xi32, #tpu.memory_space<hbm>>
    tpu.enqueue_dma source(%dma_start3A_35 : memref<256xi32, #tpu.memory_space<hbm>>) target(%arg6 : memref<256xi32, #tpu.memory_space<vmem>>) target_semaphore(%arg14 : memref<!tpu.dma_semaphore, #tpu.memory_space<semaphore_mem>>)
    %dma_wait3A = tpu.memref_slice %arg3[%select_n3A, %multiple_of3A] : memref<16x2048xi32, #tpu.memory_space<hbm>> -> memref<1x256xi32, #tpu.memory_space<hbm>>
    %dma_wait3A_36 = tpu.memref_squeeze %dma_wait3A : memref<1x256xi32, #tpu.memory_space<hbm>> -> memref<256xi32, #tpu.memory_space<hbm>>
    %dma_wait3A_37 = tpu.memref_slice %arg3[%select_n3A, %multiple_of3A] : memref<16x2048xi32, #tpu.memory_space<hbm>> -> memref<1x256xi32, #tpu.memory_space<hbm>>
    %dma_wait3A_38 = tpu.memref_squeeze %dma_wait3A_37 : memref<1x256xi32, #tpu.memory_space<hbm>> -> memref<256xi32, #tpu.memory_space<hbm>>
    tpu.wait_dma2 semaphore(%arg14 : memref<!tpu.dma_semaphore, #tpu.memory_space<semaphore_mem>>) src(%dma_wait3A_38 : memref<256xi32, #tpu.memory_space<hbm>>) dst(%arg6 : memref<256xi32, #tpu.memory_space<vmem>>)
    %dma_start3A_39 = arith.constant 0 : i32
    %dma_start3A_40 = arith.constant 0 : i32
    %dma_start3A_41 = arith.constant 0 : i32
    %dma_start3A_42 = tpu.memref_slice %arg7[%dma_start3A_39, %dma_start3A_41] : memref<8x32xf32, #tpu.memory_space<vmem>> -> memref<1x32xf32, #tpu.memory_space<vmem>>
    %dma_start3A_43 = tpu.memref_squeeze %dma_start3A_42 : memref<1x32xf32, #tpu.memory_space<vmem>> -> memref<32xf32, #tpu.memory_space<vmem>>
    %dma_start3A_44 = arith.constant 0 : i32
    %dma_start3A_45 = tpu.memref_slice %arg6[%dma_start3A_44] : memref<256xi32, #tpu.memory_space<vmem>> -> memref<32xi32, #tpu.memory_space<vmem>>
    %dma_start3A_46 = tpu.memref_slice %arg2[%multiple_of3A_32] : memref<131072xf32, #tpu.memory_space<hbm>> -> memref<8192xf32, #tpu.memory_space<hbm>>
    %dma_start3A_47 = arith.constant 0 : i32
    %dma_start3A_48 = tpu.memref_slice %dma_start3A_46[%dma_start3A_47] : memref<8192xf32, #tpu.memory_space<hbm>> -> memref<8192xf32, #tpu.memory_space<hbm>>
    %dma_start3A_49 = tpu.memref_slice %arg13[%dma_start3A_40] : memref<8x!tpu.dma_semaphore, #tpu.memory_space<semaphore_mem>> -> memref<1x!tpu.dma_semaphore, #tpu.memory_space<semaphore_mem>>
    %dma_start3A_50 = tpu.memref_squeeze %dma_start3A_49 : memref<1x!tpu.dma_semaphore, #tpu.memory_space<semaphore_mem>> -> memref<!tpu.dma_semaphore, #tpu.memory_space<semaphore_mem>>
    tpu.enqueue_indirect_dma source(%dma_start3A_48 : memref<8192xf32, #tpu.memory_space<hbm>>) target(%dma_start3A_43 : memref<32xf32, #tpu.memory_space<vmem>>) offsets(%dma_start3A_45 : memref<32xi32, #tpu.memory_space<vmem>>) semaphore(%dma_start3A_50 : memref<!tpu.dma_semaphore, #tpu.memory_space<semaphore_mem>>)
    %dma_start3A_51 = arith.constant 1 : i32
    %dma_start3A_52 = arith.constant 1 : i32
    %dma_start3A_53 = arith.constant 0 : i32
    %dma_start3A_54 = tpu.memref_slice %arg7[%dma_start3A_51, %dma_start3A_53] : memref<8x32xf32, #tpu.memory_space<vmem>> -> memref<1x32xf32, #tpu.memory_space<vmem>>
    %dma_start3A_55 = tpu.memref_squeeze %dma_start3A_54 : memref<1x32xf32, #tpu.memory_space<vmem>> -> memref<32xf32, #tpu.memory_space<vmem>>
    %dma_start3A_56 = arith.constant 32 : i32
    %dma_start3A_57 = tpu.memref_slice %arg6[%dma_start3A_56] : memref<256xi32, #tpu.memory_space<vmem>> -> memref<32xi32, #tpu.memory_space<vmem>>
    %dma_start3A_58 = tpu.memref_slice %arg2[%multiple_of3A_32] : memref<131072xf32, #tpu.memory_space<hbm>> -> memref<8192xf32, #tpu.memory_space<hbm>>
    %dma_start3A_59 = arith.constant 0 : i32
    %dma_start3A_60 = tpu.memref_slice %dma_start3A_58[%dma_start3A_59] : memref<8192xf32, #tpu.memory_space<hbm>> -> memref<8192xf32, #tpu.memory_space<hbm>>
    %dma_start3A_61 = tpu.memref_slice %arg13[%dma_start3A_52] : memref<8x!tpu.dma_semaphore, #tpu.memory_space<semaphore_mem>> -> memref<1x!tpu.dma_semaphore, #tpu.memory_space<semaphore_mem>>
    %dma_start3A_62 = tpu.memref_squeeze %dma_start3A_61 : memref<1x!tpu.dma_semaphore, #tpu.memory_space<semaphore_mem>> -> memref<!tpu.dma_semaphore, #tpu.memory_space<semaphore_mem>>
    tpu.enqueue_indirect_dma source(%dma_start3A_60 : memref<8192xf32, #tpu.memory_space<hbm>>) target(%dma_start3A_55 : memref<32xf32, #tpu.memory_space<vmem>>) offsets(%dma_start3A_57 : memref<32xi32, #tpu.memory_space<vmem>>) semaphore(%dma_start3A_62 : memref<!tpu.dma_semaphore, #tpu.memory_space<semaphore_mem>>)
    %dma_start3A_63 = arith.constant 2 : i32
    %dma_start3A_64 = arith.constant 2 : i32
    %dma_start3A_65 = arith.constant 0 : i32
    %dma_start3A_66 = tpu.memref_slice %arg7[%dma_start3A_63, %dma_start3A_65] : memref<8x32xf32, #tpu.memory_space<vmem>> -> memref<1x32xf32, #tpu.memory_space<vmem>>
    %dma_start3A_67 = tpu.memref_squeeze %dma_start3A_66 : memref<1x32xf32, #tpu.memory_space<vmem>> -> memref<32xf32, #tpu.memory_space<vmem>>
    %dma_start3A_68 = arith.constant 64 : i32
    %dma_start3A_69 = tpu.memref_slice %arg6[%dma_start3A_68] : memref<256xi32, #tpu.memory_space<vmem>> -> memref<32xi32, #tpu.memory_space<vmem>>
    %dma_start3A_70 = tpu.memref_slice %arg2[%multiple_of3A_32] : memref<131072xf32, #tpu.memory_space<hbm>> -> memref<8192xf32, #tpu.memory_space<hbm>>
    %dma_start3A_71 = arith.constant 0 : i32
    %dma_start3A_72 = tpu.memref_slice %dma_start3A_70[%dma_start3A_71] : memref<8192xf32, #tpu.memory_space<hbm>> -> memref<8192xf32, #tpu.memory_space<hbm>>
    %dma_start3A_73 = tpu.memref_slice %arg13[%dma_start3A_64] : memref<8x!tpu.dma_semaphore, #tpu.memory_space<semaphore_mem>> -> memref<1x!tpu.dma_semaphore, #tpu.memory_space<semaphore_mem>>
    %dma_start3A_74 = tpu.memref_squeeze %dma_start3A_73 : memref<1x!tpu.dma_semaphore, #tpu.memory_space<semaphore_mem>> -> memref<!tpu.dma_semaphore, #tpu.memory_space<semaphore_mem>>
    tpu.enqueue_indirect_dma source(%dma_start3A_72 : memref<8192xf32, #tpu.memory_space<hbm>>) target(%dma_start3A_67 : memref<32xf32, #tpu.memory_space<vmem>>) offsets(%dma_start3A_69 : memref<32xi32, #tpu.memory_space<vmem>>) semaphore(%dma_start3A_74 : memref<!tpu.dma_semaphore, #tpu.memory_space<semaphore_mem>>)
    %dma_start3A_75 = arith.constant 3 : i32
    %dma_start3A_76 = arith.constant 3 : i32
    %dma_start3A_77 = arith.constant 0 : i32
    %dma_start3A_78 = tpu.memref_slice %arg7[%dma_start3A_75, %dma_start3A_77] : memref<8x32xf32, #tpu.memory_space<vmem>> -> memref<1x32xf32, #tpu.memory_space<vmem>>
    %dma_start3A_79 = tpu.memref_squeeze %dma_start3A_78 : memref<1x32xf32, #tpu.memory_space<vmem>> -> memref<32xf32, #tpu.memory_space<vmem>>
    %dma_start3A_80 = arith.constant 96 : i32
    %dma_start3A_81 = tpu.memref_slice %arg6[%dma_start3A_80] : memref<256xi32, #tpu.memory_space<vmem>> -> memref<32xi32, #tpu.memory_space<vmem>>
    %dma_start3A_82 = tpu.memref_slice %arg2[%multiple_of3A_32] : memref<131072xf32, #tpu.memory_space<hbm>> -> memref<8192xf32, #tpu.memory_space<hbm>>
    %dma_start3A_83 = arith.constant 0 : i32
    %dma_start3A_84 = tpu.memref_slice %dma_start3A_82[%dma_start3A_83] : memref<8192xf32, #tpu.memory_space<hbm>> -> memref<8192xf32, #tpu.memory_space<hbm>>
    %dma_start3A_85 = tpu.memref_slice %arg13[%dma_start3A_76] : memref<8x!tpu.dma_semaphore, #tpu.memory_space<semaphore_mem>> -> memref<1x!tpu.dma_semaphore, #tpu.memory_space<semaphore_mem>>
    %dma_start3A_86 = tpu.memref_squeeze %dma_start3A_85 : memref<1x!tpu.dma_semaphore, #tpu.memory_space<semaphore_mem>> -> memref<!tpu.dma_semaphore, #tpu.memory_space<semaphore_mem>>
    tpu.enqueue_indirect_dma source(%dma_start3A_84 : memref<8192xf32, #tpu.memory_space<hbm>>) target(%dma_start3A_79 : memref<32xf32, #tpu.memory_space<vmem>>) offsets(%dma_start3A_81 : memref<32xi32, #tpu.memory_space<vmem>>) semaphore(%dma_start3A_86 : memref<!tpu.dma_semaphore, #tpu.memory_space<semaphore_mem>>)
    %dma_start3A_87 = arith.constant 4 : i32
    %dma_start3A_88 = arith.constant 4 : i32
    %dma_start3A_89 = arith.constant 0 : i32
    %dma_start3A_90 = tpu.memref_slice %arg7[%dma_start3A_87, %dma_start3A_89] : memref<8x32xf32, #tpu.memory_space<vmem>> -> memref<1x32xf32, #tpu.memory_space<vmem>>
    %dma_start3A_91 = tpu.memref_squeeze %dma_start3A_90 : memref<1x32xf32, #tpu.memory_space<vmem>> -> memref<32xf32, #tpu.memory_space<vmem>>
    %dma_start3A_92 = arith.constant 128 : i32
    %dma_start3A_93 = tpu.memref_slice %arg6[%dma_start3A_92] : memref<256xi32, #tpu.memory_space<vmem>> -> memref<32xi32, #tpu.memory_space<vmem>>
    %dma_start3A_94 = tpu.memref_slice %arg2[%multiple_of3A_32] : memref<131072xf32, #tpu.memory_space<hbm>> -> memref<8192xf32, #tpu.memory_space<hbm>>
    %dma_start3A_95 = arith.constant 0 : i32
    %dma_start3A_96 = tpu.memref_slice %dma_start3A_94[%dma_start3A_95] : memref<8192xf32, #tpu.memory_space<hbm>> -> memref<8192xf32, #tpu.memory_space<hbm>>
    %dma_start3A_97 = tpu.memref_slice %arg13[%dma_start3A_88] : memref<8x!tpu.dma_semaphore, #tpu.memory_space<semaphore_mem>> -> memref<1x!tpu.dma_semaphore, #tpu.memory_space<semaphore_mem>>
    %dma_start3A_98 = tpu.memref_squeeze %dma_start3A_97 : memref<1x!tpu.dma_semaphore, #tpu.memory_space<semaphore_mem>> -> memref<!tpu.dma_semaphore, #tpu.memory_space<semaphore_mem>>
    tpu.enqueue_indirect_dma source(%dma_start3A_96 : memref<8192xf32, #tpu.memory_space<hbm>>) target(%dma_start3A_91 : memref<32xf32, #tpu.memory_space<vmem>>) offsets(%dma_start3A_93 : memref<32xi32, #tpu.memory_space<vmem>>) semaphore(%dma_start3A_98 : memref<!tpu.dma_semaphore, #tpu.memory_space<semaphore_mem>>)
    %dma_start3A_99 = arith.constant 5 : i32
    %dma_start3A_100 = arith.constant 5 : i32
    %dma_start3A_101 = arith.constant 0 : i32
    %dma_start3A_102 = tpu.memref_slice %arg7[%dma_start3A_99, %dma_start3A_101] : memref<8x32xf32, #tpu.memory_space<vmem>> -> memref<1x32xf32, #tpu.memory_space<vmem>>
    %dma_start3A_103 = tpu.memref_squeeze %dma_start3A_102 : memref<1x32xf32, #tpu.memory_space<vmem>> -> memref<32xf32, #tpu.memory_space<vmem>>
    %dma_start3A_104 = arith.constant 160 : i32
    %dma_start3A_105 = tpu.memref_slice %arg6[%dma_start3A_104] : memref<256xi32, #tpu.memory_space<vmem>> -> memref<32xi32, #tpu.memory_space<vmem>>
    %dma_start3A_106 = tpu.memref_slice %arg2[%multiple_of3A_32] : memref<131072xf32, #tpu.memory_space<hbm>> -> memref<8192xf32, #tpu.memory_space<hbm>>
    %dma_start3A_107 = arith.constant 0 : i32
    %dma_start3A_108 = tpu.memref_slice %dma_start3A_106[%dma_start3A_107] : memref<8192xf32, #tpu.memory_space<hbm>> -> memref<8192xf32, #tpu.memory_space<hbm>>
    %dma_start3A_109 = tpu.memref_slice %arg13[%dma_start3A_100] : memref<8x!tpu.dma_semaphore, #tpu.memory_space<semaphore_mem>> -> memref<1x!tpu.dma_semaphore, #tpu.memory_space<semaphore_mem>>
    %dma_start3A_110 = tpu.memref_squeeze %dma_start3A_109 : memref<1x!tpu.dma_semaphore, #tpu.memory_space<semaphore_mem>> -> memref<!tpu.dma_semaphore, #tpu.memory_space<semaphore_mem>>
    tpu.enqueue_indirect_dma source(%dma_start3A_108 : memref<8192xf32, #tpu.memory_space<hbm>>) target(%dma_start3A_103 : memref<32xf32, #tpu.memory_space<vmem>>) offsets(%dma_start3A_105 : memref<32xi32, #tpu.memory_space<vmem>>) semaphore(%dma_start3A_110 : memref<!tpu.dma_semaphore, #tpu.memory_space<semaphore_mem>>)
    %dma_start3A_111 = arith.constant 6 : i32
    %dma_start3A_112 = arith.constant 6 : i32
    %dma_start3A_113 = arith.constant 0 : i32
    %dma_start3A_114 = tpu.memref_slice %arg7[%dma_start3A_111, %dma_start3A_113] : memref<8x32xf32, #tpu.memory_space<vmem>> -> memref<1x32xf32, #tpu.memory_space<vmem>>
    %dma_start3A_115 = tpu.memref_squeeze %dma_start3A_114 : memref<1x32xf32, #tpu.memory_space<vmem>> -> memref<32xf32, #tpu.memory_space<vmem>>
    %dma_start3A_116 = arith.constant 192 : i32
    %dma_start3A_117 = tpu.memref_slice %arg6[%dma_start3A_116] : memref<256xi32, #tpu.memory_space<vmem>> -> memref<32xi32, #tpu.memory_space<vmem>>
    %dma_start3A_118 = tpu.memref_slice %arg2[%multiple_of3A_32] : memref<131072xf32, #tpu.memory_space<hbm>> -> memref<8192xf32, #tpu.memory_space<hbm>>
    %dma_start3A_119 = arith.constant 0 : i32
    %dma_start3A_120 = tpu.memref_slice %dma_start3A_118[%dma_start3A_119] : memref<8192xf32, #tpu.memory_space<hbm>> -> memref<8192xf32, #tpu.memory_space<hbm>>
    %dma_start3A_121 = tpu.memref_slice %arg13[%dma_start3A_112] : memref<8x!tpu.dma_semaphore, #tpu.memory_space<semaphore_mem>> -> memref<1x!tpu.dma_semaphore, #tpu.memory_space<semaphore_mem>>
    %dma_start3A_122 = tpu.memref_squeeze %dma_start3A_121 : memref<1x!tpu.dma_semaphore, #tpu.memory_space<semaphore_mem>> -> memref<!tpu.dma_semaphore, #tpu.memory_space<semaphore_mem>>
    tpu.enqueue_indirect_dma source(%dma_start3A_120 : memref<8192xf32, #tpu.memory_space<hbm>>) target(%dma_start3A_115 : memref<32xf32, #tpu.memory_space<vmem>>) offsets(%dma_start3A_117 : memref<32xi32, #tpu.memory_space<vmem>>) semaphore(%dma_start3A_122 : memref<!tpu.dma_semaphore, #tpu.memory_space<semaphore_mem>>)
    %dma_start3A_123 = arith.constant 7 : i32
    %dma_start3A_124 = arith.constant 7 : i32
    %dma_start3A_125 = arith.constant 0 : i32
    %dma_start3A_126 = tpu.memref_slice %arg7[%dma_start3A_123, %dma_start3A_125] : memref<8x32xf32, #tpu.memory_space<vmem>> -> memref<1x32xf32, #tpu.memory_space<vmem>>
    %dma_start3A_127 = tpu.memref_squeeze %dma_start3A_126 : memref<1x32xf32, #tpu.memory_space<vmem>> -> memref<32xf32, #tpu.memory_space<vmem>>
    %dma_start3A_128 = arith.constant 224 : i32
    %dma_start3A_129 = tpu.memref_slice %arg6[%dma_start3A_128] : memref<256xi32, #tpu.memory_space<vmem>> -> memref<32xi32, #tpu.memory_space<vmem>>
    %dma_start3A_130 = tpu.memref_slice %arg2[%multiple_of3A_32] : memref<131072xf32, #tpu.memory_space<hbm>> -> memref<8192xf32, #tpu.memory_space<hbm>>
    %dma_start3A_131 = arith.constant 0 : i32
    %dma_start3A_132 = tpu.memref_slice %dma_start3A_130[%dma_start3A_131] : memref<8192xf32, #tpu.memory_space<hbm>> -> memref<8192xf32, #tpu.memory_space<hbm>>
    %dma_start3A_133 = tpu.memref_slice %arg13[%dma_start3A_124] : memref<8x!tpu.dma_semaphore, #tpu.memory_space<semaphore_mem>> -> memref<1x!tpu.dma_semaphore, #tpu.memory_space<semaphore_mem>>
    %dma_start3A_134 = tpu.memref_squeeze %dma_start3A_133 : memref<1x!tpu.dma_semaphore, #tpu.memory_space<semaphore_mem>> -> memref<!tpu.dma_semaphore, #tpu.memory_space<semaphore_mem>>
    tpu.enqueue_indirect_dma source(%dma_start3A_132 : memref<8192xf32, #tpu.memory_space<hbm>>) target(%dma_start3A_127 : memref<32xf32, #tpu.memory_space<vmem>>) offsets(%dma_start3A_129 : memref<32xi32, #tpu.memory_space<vmem>>) semaphore(%dma_start3A_134 : memref<!tpu.dma_semaphore, #tpu.memory_space<semaphore_mem>>)
    %iota3A = tpu.iota {dimensions = array<i32: 0>} : vector<16xi32>
    tpu.wait_dma2 semaphore(%arg15 : memref<!tpu.dma_semaphore, #tpu.memory_space<semaphore_mem>>) src(%arg4 : memref<16xi32, #tpu.memory_space<hbm>>) dst(%arg8 : memref<16xi32, #tpu.memory_space<vmem>>)
    %get3A = arith.constant 0 : index
    %get3A_135 = tpu.vector_load %arg8[%get3A] {strides = array<i32>} : memref<16xi32, #tpu.memory_space<vmem>>, vector<16xi32>,
    %broadcast_in_dim3A = arith.constant 0 : i32
    %broadcast_in_dim3A_136 = vector.broadcast %broadcast_in_dim3A : i32 to vector<16xi32>
    %add3A_137 = vector.broadcast %select_n3A : i32 to vector<16xi32>
    %add3A_138 = arith.addi %broadcast_in_dim3A_136, %add3A_137 : vector<16xi32>
    %broadcast_in_dim3A_139 = vector.shape_cast %add3A_138 : vector<16xi32> to vector<16x1xi32>
    %gather3A = vector.shape_cast %broadcast_in_dim3A_139 : vector<16x1xi32> to vector<16xi32>
    %gather3A_140 = tpu.dynamic_gather %get3A_135[%gather3A] in [0] : vector<16xi32>, vector<16xi32> -> vector<16xi32>
    %broadcast_in_dim3A_141 = arith.constant 1.000000e+00 : f32
    %broadcast_in_dim3A_142 = vector.broadcast %broadcast_in_dim3A_141 : f32 to vector<16xf32>
    %dma_wait3A_143 = arith.constant 0 : i32
    %dma_wait3A_144 = arith.constant 0 : i32
    %dma_wait3A_145 = arith.constant 0 : i32
    %dma_wait3A_146 = tpu.memref_slice %arg7[%dma_wait3A_143, %dma_wait3A_145] : memref<8x32xf32, #tpu.memory_space<vmem>> -> memref<1x32xf32, #tpu.memory_space<vmem>>
    %dma_wait3A_147 = tpu.memref_squeeze %dma_wait3A_146 : memref<1x32xf32, #tpu.memory_space<vmem>> -> memref<32xf32, #tpu.memory_space<vmem>>
    %dma_wait3A_148 = arith.constant 0 : i32
    %dma_wait3A_149 = tpu.memref_slice %arg6[%dma_wait3A_148] : memref<256xi32, #tpu.memory_space<vmem>> -> memref<32xi32, #tpu.memory_space<vmem>>
    %dma_wait3A_150 = tpu.memref_slice %arg2[%multiple_of3A_32] : memref<131072xf32, #tpu.memory_space<hbm>> -> memref<8192xf32, #tpu.memory_space<hbm>>
    %dma_wait3A_151 = arith.constant 0 : i32
    %dma_wait3A_152 = tpu.memref_slice %dma_wait3A_150[%dma_wait3A_151] : memref<8192xf32, #tpu.memory_space<hbm>> -> memref<8192xf32, #tpu.memory_space<hbm>>
    %dma_wait3A_153 = tpu.memref_slice %arg13[%dma_wait3A_144] : memref<8x!tpu.dma_semaphore, #tpu.memory_space<semaphore_mem>> -> memref<1x!tpu.dma_semaphore, #tpu.memory_space<semaphore_mem>>
    %dma_wait3A_154 = tpu.memref_squeeze %dma_wait3A_153 : memref<1x!tpu.dma_semaphore, #tpu.memory_space<semaphore_mem>> -> memref<!tpu.dma_semaphore, #tpu.memory_space<semaphore_mem>>
    tpu.wait_indirect_dma semaphore(%dma_wait3A_154 : memref<!tpu.dma_semaphore, #tpu.memory_space<semaphore_mem>>) src(%dma_wait3A_152 : memref<8192xf32, #tpu.memory_space<hbm>>) dst(%dma_wait3A_147 : memref<32xf32, #tpu.memory_space<vmem>>)
    %get3A_155 = arith.constant 0 : i32
    %get3A_156 = arith.index_cast %get3A_155 : i32 to index
    %get3A_157 = arith.constant 0 : index
    %get3A_158 = tpu.vector_load %arg7[%get3A_156, %get3A_157] {strides = array<i32>} : memref<8x32xf32, #tpu.memory_space<vmem>>, vector<16xf32>,
    %add3A_159 = arith.constant 0 : i32
    %add3A_160 = arith.addi %multiple_of3A, %add3A_159 : i32
    %add3A_161 = vector.broadcast %add3A_160 : i32 to vector<16xi32>
    %add3A_162 = arith.addi %add3A_161, %iota3A : vector<16xi32>
    %lt3A_163 = arith.cmpi slt, %add3A_162, %gather3A_140 : vector<16xi32>
    %sub3A_164 = arith.constant 1.000000e+00 : f32
    %sub3A_165 = vector.broadcast %sub3A_164 : f32 to vector<16xf32>
    %sub3A_166 = arith.subf %sub3A_165, %get3A_158 : vector<16xf32>
    %jit3A_167 = arith.constant 1.000000e+00 : f32
    %broadcast_in_dim3A_168 = vector.broadcast %jit3A_167 : f32 to vector<16xf32>
    %select_n3A_169 = arith.select %lt3A_163, %sub3A_166, %broadcast_in_dim3A_168 : vector<16xi1>, vector<16xf32>
    %mul3A_170 = arith.mulf %broadcast_in_dim3A_142, %select_n3A_169 : vector<16xf32>
    %get3A_171 = arith.constant 0 : i32
    %get3A_172 = arith.index_cast %get3A_171 : i32 to index
    %get3A_173 = arith.constant 16 : index
    %get3A_174 = tpu.vector_load %arg7[%get3A_172, %get3A_173] {strides = array<i32>} : memref<8x32xf32, #tpu.memory_space<vmem>>, vector<16xf32>,
    %add3A_175 = arith.constant 16 : i32
    %add3A_176 = arith.addi %multiple_of3A, %add3A_175 : i32
    %add3A_177 = vector.broadcast %add3A_176 : i32 to vector<16xi32>
    %add3A_178 = arith.addi %add3A_177, %iota3A : vector<16xi32>
    %lt3A_179 = arith.cmpi slt, %add3A_178, %gather3A_140 : vector<16xi32>
    %sub3A_180 = arith.constant 1.000000e+00 : f32
    %sub3A_181 = vector.broadcast %sub3A_180 : f32 to vector<16xf32>
    %sub3A_182 = arith.subf %sub3A_181, %get3A_174 : vector<16xf32>
    %jit3A_183 = arith.constant 1.000000e+00 : f32
    %broadcast_in_dim3A_184 = vector.broadcast %jit3A_183 : f32 to vector<16xf32>
    %select_n3A_185 = arith.select %lt3A_179, %sub3A_182, %broadcast_in_dim3A_184 : vector<16xi1>, vector<16xf32>
    %mul3A_186 = arith.mulf %mul3A_170, %select_n3A_185 : vector<16xf32>
    %dma_wait3A_187 = arith.constant 1 : i32
    %dma_wait3A_188 = arith.constant 1 : i32
    %dma_wait3A_189 = arith.constant 0 : i32
    %dma_wait3A_190 = tpu.memref_slice %arg7[%dma_wait3A_187, %dma_wait3A_189] : memref<8x32xf32, #tpu.memory_space<vmem>> -> memref<1x32xf32, #tpu.memory_space<vmem>>
    %dma_wait3A_191 = tpu.memref_squeeze %dma_wait3A_190 : memref<1x32xf32, #tpu.memory_space<vmem>> -> memref<32xf32, #tpu.memory_space<vmem>>
    %dma_wait3A_192 = arith.constant 32 : i32
    %dma_wait3A_193 = tpu.memref_slice %arg6[%dma_wait3A_192] : memref<256xi32, #tpu.memory_space<vmem>> -> memref<32xi32, #tpu.memory_space<vmem>>
    %dma_wait3A_194 = tpu.memref_slice %arg2[%multiple_of3A_32] : memref<131072xf32, #tpu.memory_space<hbm>> -> memref<8192xf32, #tpu.memory_space<hbm>>
    %dma_wait3A_195 = arith.constant 0 : i32
    %dma_wait3A_196 = tpu.memref_slice %dma_wait3A_194[%dma_wait3A_195] : memref<8192xf32, #tpu.memory_space<hbm>> -> memref<8192xf32, #tpu.memory_space<hbm>>
    %dma_wait3A_197 = tpu.memref_slice %arg13[%dma_wait3A_188] : memref<8x!tpu.dma_semaphore, #tpu.memory_space<semaphore_mem>> -> memref<1x!tpu.dma_semaphore, #tpu.memory_space<semaphore_mem>>
    %dma_wait3A_198 = tpu.memref_squeeze %dma_wait3A_197 : memref<1x!tpu.dma_semaphore, #tpu.memory_space<semaphore_mem>> -> memref<!tpu.dma_semaphore, #tpu.memory_space<semaphore_mem>>
    tpu.wait_indirect_dma semaphore(%dma_wait3A_198 : memref<!tpu.dma_semaphore, #tpu.memory_space<semaphore_mem>>) src(%dma_wait3A_196 : memref<8192xf32, #tpu.memory_space<hbm>>) dst(%dma_wait3A_191 : memref<32xf32, #tpu.memory_space<vmem>>)
    %get3A_199 = arith.constant 1 : i32
    %get3A_200 = arith.index_cast %get3A_199 : i32 to index
    %get3A_201 = arith.constant 0 : index
    %get3A_202 = tpu.vector_load %arg7[%get3A_200, %get3A_201] {strides = array<i32>} : memref<8x32xf32, #tpu.memory_space<vmem>>, vector<16xf32>,
    %add3A_203 = arith.constant 32 : i32
    %add3A_204 = arith.addi %multiple_of3A, %add3A_203 : i32
    %add3A_205 = vector.broadcast %add3A_204 : i32 to vector<16xi32>
    %add3A_206 = arith.addi %add3A_205, %iota3A : vector<16xi32>
    %lt3A_207 = arith.cmpi slt, %add3A_206, %gather3A_140 : vector<16xi32>
    %sub3A_208 = arith.constant 1.000000e+00 : f32
    %sub3A_209 = vector.broadcast %sub3A_208 : f32 to vector<16xf32>
    %sub3A_210 = arith.subf %sub3A_209, %get3A_202 : vector<16xf32>
    %jit3A_211 = arith.constant 1.000000e+00 : f32
    %broadcast_in_dim3A_212 = vector.broadcast %jit3A_211 : f32 to vector<16xf32>
    %select_n3A_213 = arith.select %lt3A_207, %sub3A_210, %broadcast_in_dim3A_212 : vector<16xi1>, vector<16xf32>
    %mul3A_214 = arith.mulf %mul3A_186, %select_n3A_213 : vector<16xf32>
    %get3A_215 = arith.constant 1 : i32
    %get3A_216 = arith.index_cast %get3A_215 : i32 to index
    %get3A_217 = arith.constant 16 : index
    %get3A_218 = tpu.vector_load %arg7[%get3A_216, %get3A_217] {strides = array<i32>} : memref<8x32xf32, #tpu.memory_space<vmem>>, vector<16xf32>,
    %add3A_219 = arith.constant 48 : i32
    %add3A_220 = arith.addi %multiple_of3A, %add3A_219 : i32
    %add3A_221 = vector.broadcast %add3A_220 : i32 to vector<16xi32>
    %add3A_222 = arith.addi %add3A_221, %iota3A : vector<16xi32>
    %lt3A_223 = arith.cmpi slt, %add3A_222, %gather3A_140 : vector<16xi32>
    %sub3A_224 = arith.constant 1.000000e+00 : f32
    %sub3A_225 = vector.broadcast %sub3A_224 : f32 to vector<16xf32>
    %sub3A_226 = arith.subf %sub3A_225, %get3A_218 : vector<16xf32>
    %jit3A_227 = arith.constant 1.000000e+00 : f32
    %broadcast_in_dim3A_228 = vector.broadcast %jit3A_227 : f32 to vector<16xf32>
    %select_n3A_229 = arith.select %lt3A_223, %sub3A_226, %broadcast_in_dim3A_228 : vector<16xi1>, vector<16xf32>
    %mul3A_230 = arith.mulf %mul3A_214, %select_n3A_229 : vector<16xf32>
    %dma_wait3A_231 = arith.constant 2 : i32
    %dma_wait3A_232 = arith.constant 2 : i32
    %dma_wait3A_233 = arith.constant 0 : i32
    %dma_wait3A_234 = tpu.memref_slice %arg7[%dma_wait3A_231, %dma_wait3A_233] : memref<8x32xf32, #tpu.memory_space<vmem>> -> memref<1x32xf32, #tpu.memory_space<vmem>>
    %dma_wait3A_235 = tpu.memref_squeeze %dma_wait3A_234 : memref<1x32xf32, #tpu.memory_space<vmem>> -> memref<32xf32, #tpu.memory_space<vmem>>
    %dma_wait3A_236 = arith.constant 64 : i32
    %dma_wait3A_237 = tpu.memref_slice %arg6[%dma_wait3A_236] : memref<256xi32, #tpu.memory_space<vmem>> -> memref<32xi32, #tpu.memory_space<vmem>>
    %dma_wait3A_238 = tpu.memref_slice %arg2[%multiple_of3A_32] : memref<131072xf32, #tpu.memory_space<hbm>> -> memref<8192xf32, #tpu.memory_space<hbm>>
    %dma_wait3A_239 = arith.constant 0 : i32
    %dma_wait3A_240 = tpu.memref_slice %dma_wait3A_238[%dma_wait3A_239] : memref<8192xf32, #tpu.memory_space<hbm>> -> memref<8192xf32, #tpu.memory_space<hbm>>
    %dma_wait3A_241 = tpu.memref_slice %arg13[%dma_wait3A_232] : memref<8x!tpu.dma_semaphore, #tpu.memory_space<semaphore_mem>> -> memref<1x!tpu.dma_semaphore, #tpu.memory_space<semaphore_mem>>
    %dma_wait3A_242 = tpu.memref_squeeze %dma_wait3A_241 : memref<1x!tpu.dma_semaphore, #tpu.memory_space<semaphore_mem>> -> memref<!tpu.dma_semaphore, #tpu.memory_space<semaphore_mem>>
    tpu.wait_indirect_dma semaphore(%dma_wait3A_242 : memref<!tpu.dma_semaphore, #tpu.memory_space<semaphore_mem>>) src(%dma_wait3A_240 : memref<8192xf32, #tpu.memory_space<hbm>>) dst(%dma_wait3A_235 : memref<32xf32, #tpu.memory_space<vmem>>)
    %get3A_243 = arith.constant 2 : i32
    %get3A_244 = arith.index_cast %get3A_243 : i32 to index
    %get3A_245 = arith.constant 0 : index
    %get3A_246 = tpu.vector_load %arg7[%get3A_244, %get3A_245] {strides = array<i32>} : memref<8x32xf32, #tpu.memory_space<vmem>>, vector<16xf32>,
    %add3A_247 = arith.constant 64 : i32
    %add3A_248 = arith.addi %multiple_of3A, %add3A_247 : i32
    %add3A_249 = vector.broadcast %add3A_248 : i32 to vector<16xi32>
    %add3A_250 = arith.addi %add3A_249, %iota3A : vector<16xi32>
    %lt3A_251 = arith.cmpi slt, %add3A_250, %gather3A_140 : vector<16xi32>
    %sub3A_252 = arith.constant 1.000000e+00 : f32
    %sub3A_253 = vector.broadcast %sub3A_252 : f32 to vector<16xf32>
    %sub3A_254 = arith.subf %sub3A_253, %get3A_246 : vector<16xf32>
    %jit3A_255 = arith.constant 1.000000e+00 : f32
    %broadcast_in_dim3A_256 = vector.broadcast %jit3A_255 : f32 to vector<16xf32>
    %select_n3A_257 = arith.select %lt3A_251, %sub3A_254, %broadcast_in_dim3A_256 : vector<16xi1>, vector<16xf32>
    %mul3A_258 = arith.mulf %mul3A_230, %select_n3A_257 : vector<16xf32>
    %get3A_259 = arith.constant 2 : i32
    %get3A_260 = arith.index_cast %get3A_259 : i32 to index
    %get3A_261 = arith.constant 16 : index
    %get3A_262 = tpu.vector_load %arg7[%get3A_260, %get3A_261] {strides = array<i32>} : memref<8x32xf32, #tpu.memory_space<vmem>>, vector<16xf32>,
    %add3A_263 = arith.constant 80 : i32
    %add3A_264 = arith.addi %multiple_of3A, %add3A_263 : i32
    %add3A_265 = vector.broadcast %add3A_264 : i32 to vector<16xi32>
    %add3A_266 = arith.addi %add3A_265, %iota3A : vector<16xi32>
    %lt3A_267 = arith.cmpi slt, %add3A_266, %gather3A_140 : vector<16xi32>
    %sub3A_268 = arith.constant 1.000000e+00 : f32
    %sub3A_269 = vector.broadcast %sub3A_268 : f32 to vector<16xf32>
    %sub3A_270 = arith.subf %sub3A_269, %get3A_262 : vector<16xf32>
    %jit3A_271 = arith.constant 1.000000e+00 : f32
    %broadcast_in_dim3A_272 = vector.broadcast %jit3A_271 : f32 to vector<16xf32>
    %select_n3A_273 = arith.select %lt3A_267, %sub3A_270, %broadcast_in_dim3A_272 : vector<16xi1>, vector<16xf32>
    %mul3A_274 = arith.mulf %mul3A_258, %select_n3A_273 : vector<16xf32>
    %dma_wait3A_275 = arith.constant 3 : i32
    %dma_wait3A_276 = arith.constant 3 : i32
    %dma_wait3A_277 = arith.constant 0 : i32
    %dma_wait3A_278 = tpu.memref_slice %arg7[%dma_wait3A_275, %dma_wait3A_277] : memref<8x32xf32, #tpu.memory_space<vmem>> -> memref<1x32xf32, #tpu.memory_space<vmem>>
    %dma_wait3A_279 = tpu.memref_squeeze %dma_wait3A_278 : memref<1x32xf32, #tpu.memory_space<vmem>> -> memref<32xf32, #tpu.memory_space<vmem>>
    %dma_wait3A_280 = arith.constant 96 : i32
    %dma_wait3A_281 = tpu.memref_slice %arg6[%dma_wait3A_280] : memref<256xi32, #tpu.memory_space<vmem>> -> memref<32xi32, #tpu.memory_space<vmem>>
    %dma_wait3A_282 = tpu.memref_slice %arg2[%multiple_of3A_32] : memref<131072xf32, #tpu.memory_space<hbm>> -> memref<8192xf32, #tpu.memory_space<hbm>>
    %dma_wait3A_283 = arith.constant 0 : i32
    %dma_wait3A_284 = tpu.memref_slice %dma_wait3A_282[%dma_wait3A_283] : memref<8192xf32, #tpu.memory_space<hbm>> -> memref<8192xf32, #tpu.memory_space<hbm>>
    %dma_wait3A_285 = tpu.memref_slice %arg13[%dma_wait3A_276] : memref<8x!tpu.dma_semaphore, #tpu.memory_space<semaphore_mem>> -> memref<1x!tpu.dma_semaphore, #tpu.memory_space<semaphore_mem>>
    %dma_wait3A_286 = tpu.memref_squeeze %dma_wait3A_285 : memref<1x!tpu.dma_semaphore, #tpu.memory_space<semaphore_mem>> -> memref<!tpu.dma_semaphore, #tpu.memory_space<semaphore_mem>>
    tpu.wait_indirect_dma semaphore(%dma_wait3A_286 : memref<!tpu.dma_semaphore, #tpu.memory_space<semaphore_mem>>) src(%dma_wait3A_284 : memref<8192xf32, #tpu.memory_space<hbm>>) dst(%dma_wait3A_279 : memref<32xf32, #tpu.memory_space<vmem>>)
    %get3A_287 = arith.constant 3 : i32
    %get3A_288 = arith.index_cast %get3A_287 : i32 to index
    %get3A_289 = arith.constant 0 : index
    %get3A_290 = tpu.vector_load %arg7[%get3A_288, %get3A_289] {strides = array<i32>} : memref<8x32xf32, #tpu.memory_space<vmem>>, vector<16xf32>,
    %add3A_291 = arith.constant 96 : i32
    %add3A_292 = arith.addi %multiple_of3A, %add3A_291 : i32
    %add3A_293 = vector.broadcast %add3A_292 : i32 to vector<16xi32>
    %add3A_294 = arith.addi %add3A_293, %iota3A : vector<16xi32>
    %lt3A_295 = arith.cmpi slt, %add3A_294, %gather3A_140 : vector<16xi32>
    %sub3A_296 = arith.constant 1.000000e+00 : f32
    %sub3A_297 = vector.broadcast %sub3A_296 : f32 to vector<16xf32>
    %sub3A_298 = arith.subf %sub3A_297, %get3A_290 : vector<16xf32>
    %jit3A_299 = arith.constant 1.000000e+00 : f32
    %broadcast_in_dim3A_300 = vector.broadcast %jit3A_299 : f32 to vector<16xf32>
    %select_n3A_301 = arith.select %lt3A_295, %sub3A_298, %broadcast_in_dim3A_300 : vector<16xi1>, vector<16xf32>
    %mul3A_302 = arith.mulf %mul3A_274, %select_n3A_301 : vector<16xf32>
    %get3A_303 = arith.constant 3 : i32
    %get3A_304 = arith.index_cast %get3A_303 : i32 to index
    %get3A_305 = arith.constant 16 : index
    %get3A_306 = tpu.vector_load %arg7[%get3A_304, %get3A_305] {strides = array<i32>} : memref<8x32xf32, #tpu.memory_space<vmem>>, vector<16xf32>,
    %add3A_307 = arith.constant 112 : i32
    %add3A_308 = arith.addi %multiple_of3A, %add3A_307 : i32
    %add3A_309 = vector.broadcast %add3A_308 : i32 to vector<16xi32>
    %add3A_310 = arith.addi %add3A_309, %iota3A : vector<16xi32>
    %lt3A_311 = arith.cmpi slt, %add3A_310, %gather3A_140 : vector<16xi32>
    %sub3A_312 = arith.constant 1.000000e+00 : f32
    %sub3A_313 = vector.broadcast %sub3A_312 : f32 to vector<16xf32>
    %sub3A_314 = arith.subf %sub3A_313, %get3A_306 : vector<16xf32>
    %jit3A_315 = arith.constant 1.000000e+00 : f32
    %broadcast_in_dim3A_316 = vector.broadcast %jit3A_315 : f32 to vector<16xf32>
    %select_n3A_317 = arith.select %lt3A_311, %sub3A_314, %broadcast_in_dim3A_316 : vector<16xi1>, vector<16xf32>
    %mul3A_318 = arith.mulf %mul3A_302, %select_n3A_317 : vector<16xf32>
    %dma_wait3A_319 = arith.constant 4 : i32
    %dma_wait3A_320 = arith.constant 4 : i32
    %dma_wait3A_321 = arith.constant 0 : i32
    %dma_wait3A_322 = tpu.memref_slice %arg7[%dma_wait3A_319, %dma_wait3A_321] : memref<8x32xf32, #tpu.memory_space<vmem>> -> memref<1x32xf32, #tpu.memory_space<vmem>>
    %dma_wait3A_323 = tpu.memref_squeeze %dma_wait3A_322 : memref<1x32xf32, #tpu.memory_space<vmem>> -> memref<32xf32, #tpu.memory_space<vmem>>
    %dma_wait3A_324 = arith.constant 128 : i32
    %dma_wait3A_325 = tpu.memref_slice %arg6[%dma_wait3A_324] : memref<256xi32, #tpu.memory_space<vmem>> -> memref<32xi32, #tpu.memory_space<vmem>>
    %dma_wait3A_326 = tpu.memref_slice %arg2[%multiple_of3A_32] : memref<131072xf32, #tpu.memory_space<hbm>> -> memref<8192xf32, #tpu.memory_space<hbm>>
    %dma_wait3A_327 = arith.constant 0 : i32
    %dma_wait3A_328 = tpu.memref_slice %dma_wait3A_326[%dma_wait3A_327] : memref<8192xf32, #tpu.memory_space<hbm>> -> memref<8192xf32, #tpu.memory_space<hbm>>
    %dma_wait3A_329 = tpu.memref_slice %arg13[%dma_wait3A_320] : memref<8x!tpu.dma_semaphore, #tpu.memory_space<semaphore_mem>> -> memref<1x!tpu.dma_semaphore, #tpu.memory_space<semaphore_mem>>
    %dma_wait3A_330 = tpu.memref_squeeze %dma_wait3A_329 : memref<1x!tpu.dma_semaphore, #tpu.memory_space<semaphore_mem>> -> memref<!tpu.dma_semaphore, #tpu.memory_space<semaphore_mem>>
    tpu.wait_indirect_dma semaphore(%dma_wait3A_330 : memref<!tpu.dma_semaphore, #tpu.memory_space<semaphore_mem>>) src(%dma_wait3A_328 : memref<8192xf32, #tpu.memory_space<hbm>>) dst(%dma_wait3A_323 : memref<32xf32, #tpu.memory_space<vmem>>)
    %get3A_331 = arith.constant 4 : i32
    %get3A_332 = arith.index_cast %get3A_331 : i32 to index
    %get3A_333 = arith.constant 0 : index
    %get3A_334 = tpu.vector_load %arg7[%get3A_332, %get3A_333] {strides = array<i32>} : memref<8x32xf32, #tpu.memory_space<vmem>>, vector<16xf32>,
    %add3A_335 = arith.constant 128 : i32
    %add3A_336 = arith.addi %multiple_of3A, %add3A_335 : i32
    %add3A_337 = vector.broadcast %add3A_336 : i32 to vector<16xi32>
    %add3A_338 = arith.addi %add3A_337, %iota3A : vector<16xi32>
    %lt3A_339 = arith.cmpi slt, %add3A_338, %gather3A_140 : vector<16xi32>
    %sub3A_340 = arith.constant 1.000000e+00 : f32
    %sub3A_341 = vector.broadcast %sub3A_340 : f32 to vector<16xf32>
    %sub3A_342 = arith.subf %sub3A_341, %get3A_334 : vector<16xf32>
    %jit3A_343 = arith.constant 1.000000e+00 : f32
    %broadcast_in_dim3A_344 = vector.broadcast %jit3A_343 : f32 to vector<16xf32>
    %select_n3A_345 = arith.select %lt3A_339, %sub3A_342, %broadcast_in_dim3A_344 : vector<16xi1>, vector<16xf32>
    %mul3A_346 = arith.mulf %mul3A_318, %select_n3A_345 : vector<16xf32>
    %get3A_347 = arith.constant 4 : i32
    %get3A_348 = arith.index_cast %get3A_347 : i32 to index
    %get3A_349 = arith.constant 16 : index
    %get3A_350 = tpu.vector_load %arg7[%get3A_348, %get3A_349] {strides = array<i32>} : memref<8x32xf32, #tpu.memory_space<vmem>>, vector<16xf32>,
    %add3A_351 = arith.constant 144 : i32
    %add3A_352 = arith.addi %multiple_of3A, %add3A_351 : i32
    %add3A_353 = vector.broadcast %add3A_352 : i32 to vector<16xi32>
    %add3A_354 = arith.addi %add3A_353, %iota3A : vector<16xi32>
    %lt3A_355 = arith.cmpi slt, %add3A_354, %gather3A_140 : vector<16xi32>
    %sub3A_356 = arith.constant 1.000000e+00 : f32
    %sub3A_357 = vector.broadcast %sub3A_356 : f32 to vector<16xf32>
    %sub3A_358 = arith.subf %sub3A_357, %get3A_350 : vector<16xf32>
    %jit3A_359 = arith.constant 1.000000e+00 : f32
    %broadcast_in_dim3A_360 = vector.broadcast %jit3A_359 : f32 to vector<16xf32>
    %select_n3A_361 = arith.select %lt3A_355, %sub3A_358, %broadcast_in_dim3A_360 : vector<16xi1>, vector<16xf32>
    %mul3A_362 = arith.mulf %mul3A_346, %select_n3A_361 : vector<16xf32>
    %dma_wait3A_363 = arith.constant 5 : i32
    %dma_wait3A_364 = arith.constant 5 : i32
    %dma_wait3A_365 = arith.constant 0 : i32
    %dma_wait3A_366 = tpu.memref_slice %arg7[%dma_wait3A_363, %dma_wait3A_365] : memref<8x32xf32, #tpu.memory_space<vmem>> -> memref<1x32xf32, #tpu.memory_space<vmem>>
    %dma_wait3A_367 = tpu.memref_squeeze %dma_wait3A_366 : memref<1x32xf32, #tpu.memory_space<vmem>> -> memref<32xf32, #tpu.memory_space<vmem>>
    %dma_wait3A_368 = arith.constant 160 : i32
    %dma_wait3A_369 = tpu.memref_slice %arg6[%dma_wait3A_368] : memref<256xi32, #tpu.memory_space<vmem>> -> memref<32xi32, #tpu.memory_space<vmem>>
    %dma_wait3A_370 = tpu.memref_slice %arg2[%multiple_of3A_32] : memref<131072xf32, #tpu.memory_space<hbm>> -> memref<8192xf32, #tpu.memory_space<hbm>>
    %dma_wait3A_371 = arith.constant 0 : i32
    %dma_wait3A_372 = tpu.memref_slice %dma_wait3A_370[%dma_wait3A_371] : memref<8192xf32, #tpu.memory_space<hbm>> -> memref<8192xf32, #tpu.memory_space<hbm>>
    %dma_wait3A_373 = tpu.memref_slice %arg13[%dma_wait3A_364] : memref<8x!tpu.dma_semaphore, #tpu.memory_space<semaphore_mem>> -> memref<1x!tpu.dma_semaphore, #tpu.memory_space<semaphore_mem>>
    %dma_wait3A_374 = tpu.memref_squeeze %dma_wait3A_373 : memref<1x!tpu.dma_semaphore, #tpu.memory_space<semaphore_mem>> -> memref<!tpu.dma_semaphore, #tpu.memory_space<semaphore_mem>>
    tpu.wait_indirect_dma semaphore(%dma_wait3A_374 : memref<!tpu.dma_semaphore, #tpu.memory_space<semaphore_mem>>) src(%dma_wait3A_372 : memref<8192xf32, #tpu.memory_space<hbm>>) dst(%dma_wait3A_367 : memref<32xf32, #tpu.memory_space<vmem>>)
    %get3A_375 = arith.constant 5 : i32
    %get3A_376 = arith.index_cast %get3A_375 : i32 to index
    %get3A_377 = arith.constant 0 : index
    %get3A_378 = tpu.vector_load %arg7[%get3A_376, %get3A_377] {strides = array<i32>} : memref<8x32xf32, #tpu.memory_space<vmem>>, vector<16xf32>,
    %add3A_379 = arith.constant 160 : i32
    %add3A_380 = arith.addi %multiple_of3A, %add3A_379 : i32
    %add3A_381 = vector.broadcast %add3A_380 : i32 to vector<16xi32>
    %add3A_382 = arith.addi %add3A_381, %iota3A : vector<16xi32>
    %lt3A_383 = arith.cmpi slt, %add3A_382, %gather3A_140 : vector<16xi32>
    %sub3A_384 = arith.constant 1.000000e+00 : f32
    %sub3A_385 = vector.broadcast %sub3A_384 : f32 to vector<16xf32>
    %sub3A_386 = arith.subf %sub3A_385, %get3A_378 : vector<16xf32>
    %jit3A_387 = arith.constant 1.000000e+00 : f32
    %broadcast_in_dim3A_388 = vector.broadcast %jit3A_387 : f32 to vector<16xf32>
    %select_n3A_389 = arith.select %lt3A_383, %sub3A_386, %broadcast_in_dim3A_388 : vector<16xi1>, vector<16xf32>
    %mul3A_390 = arith.mulf %mul3A_362, %select_n3A_389 : vector<16xf32>
    %get3A_391 = arith.constant 5 : i32
    %get3A_392 = arith.index_cast %get3A_391 : i32 to index
    %get3A_393 = arith.constant 16 : index
    %get3A_394 = tpu.vector_load %arg7[%get3A_392, %get3A_393] {strides = array<i32>} : memref<8x32xf32, #tpu.memory_space<vmem>>, vector<16xf32>,
    %add3A_395 = arith.constant 176 : i32
    %add3A_396 = arith.addi %multiple_of3A, %add3A_395 : i32
    %add3A_397 = vector.broadcast %add3A_396 : i32 to vector<16xi32>
    %add3A_398 = arith.addi %add3A_397, %iota3A : vector<16xi32>
    %lt3A_399 = arith.cmpi slt, %add3A_398, %gather3A_140 : vector<16xi32>
    %sub3A_400 = arith.constant 1.000000e+00 : f32
    %sub3A_401 = vector.broadcast %sub3A_400 : f32 to vector<16xf32>
    %sub3A_402 = arith.subf %sub3A_401, %get3A_394 : vector<16xf32>
    %jit3A_403 = arith.constant 1.000000e+00 : f32
    %broadcast_in_dim3A_404 = vector.broadcast %jit3A_403 : f32 to vector<16xf32>
    %select_n3A_405 = arith.select %lt3A_399, %sub3A_402, %broadcast_in_dim3A_404 : vector<16xi1>, vector<16xf32>
    %mul3A_406 = arith.mulf %mul3A_390, %select_n3A_405 : vector<16xf32>
    %dma_wait3A_407 = arith.constant 6 : i32
    %dma_wait3A_408 = arith.constant 6 : i32
    %dma_wait3A_409 = arith.constant 0 : i32
    %dma_wait3A_410 = tpu.memref_slice %arg7[%dma_wait3A_407, %dma_wait3A_409] : memref<8x32xf32, #tpu.memory_space<vmem>> -> memref<1x32xf32, #tpu.memory_space<vmem>>
    %dma_wait3A_411 = tpu.memref_squeeze %dma_wait3A_410 : memref<1x32xf32, #tpu.memory_space<vmem>> -> memref<32xf32, #tpu.memory_space<vmem>>
    %dma_wait3A_412 = arith.constant 192 : i32
    %dma_wait3A_413 = tpu.memref_slice %arg6[%dma_wait3A_412] : memref<256xi32, #tpu.memory_space<vmem>> -> memref<32xi32, #tpu.memory_space<vmem>>
    %dma_wait3A_414 = tpu.memref_slice %arg2[%multiple_of3A_32] : memref<131072xf32, #tpu.memory_space<hbm>> -> memref<8192xf32, #tpu.memory_space<hbm>>
    %dma_wait3A_415 = arith.constant 0 : i32
    %dma_wait3A_416 = tpu.memref_slice %dma_wait3A_414[%dma_wait3A_415] : memref<8192xf32, #tpu.memory_space<hbm>> -> memref<8192xf32, #tpu.memory_space<hbm>>
    %dma_wait3A_417 = tpu.memref_slice %arg13[%dma_wait3A_408] : memref<8x!tpu.dma_semaphore, #tpu.memory_space<semaphore_mem>> -> memref<1x!tpu.dma_semaphore, #tpu.memory_space<semaphore_mem>>
    %dma_wait3A_418 = tpu.memref_squeeze %dma_wait3A_417 : memref<1x!tpu.dma_semaphore, #tpu.memory_space<semaphore_mem>> -> memref<!tpu.dma_semaphore, #tpu.memory_space<semaphore_mem>>
    tpu.wait_indirect_dma semaphore(%dma_wait3A_418 : memref<!tpu.dma_semaphore, #tpu.memory_space<semaphore_mem>>) src(%dma_wait3A_416 : memref<8192xf32, #tpu.memory_space<hbm>>) dst(%dma_wait3A_411 : memref<32xf32, #tpu.memory_space<vmem>>)
    %get3A_419 = arith.constant 6 : i32
    %get3A_420 = arith.index_cast %get3A_419 : i32 to index
    %get3A_421 = arith.constant 0 : index
    %get3A_422 = tpu.vector_load %arg7[%get3A_420, %get3A_421] {strides = array<i32>} : memref<8x32xf32, #tpu.memory_space<vmem>>, vector<16xf32>,
    %add3A_423 = arith.constant 192 : i32
    %add3A_424 = arith.addi %multiple_of3A, %add3A_423 : i32
    %add3A_425 = vector.broadcast %add3A_424 : i32 to vector<16xi32>
    %add3A_426 = arith.addi %add3A_425, %iota3A : vector<16xi32>
    %lt3A_427 = arith.cmpi slt, %add3A_426, %gather3A_140 : vector<16xi32>
    %sub3A_428 = arith.constant 1.000000e+00 : f32
    %sub3A_429 = vector.broadcast %sub3A_428 : f32 to vector<16xf32>
    %sub3A_430 = arith.subf %sub3A_429, %get3A_422 : vector<16xf32>
    %jit3A_431 = arith.constant 1.000000e+00 : f32
    %broadcast_in_dim3A_432 = vector.broadcast %jit3A_431 : f32 to vector<16xf32>
    %select_n3A_433 = arith.select %lt3A_427, %sub3A_430, %broadcast_in_dim3A_432 : vector<16xi1>, vector<16xf32>
    %mul3A_434 = arith.mulf %mul3A_406, %select_n3A_433 : vector<16xf32>
    %get3A_435 = arith.constant 6 : i32
    %get3A_436 = arith.index_cast %get3A_435 : i32 to index
    %get3A_437 = arith.constant 16 : index
    %get3A_438 = tpu.vector_load %arg7[%get3A_436, %get3A_437] {strides = array<i32>} : memref<8x32xf32, #tpu.memory_space<vmem>>, vector<16xf32>,
    %add3A_439 = arith.constant 208 : i32
    %add3A_440 = arith.addi %multiple_of3A, %add3A_439 : i32
    %add3A_441 = vector.broadcast %add3A_440 : i32 to vector<16xi32>
    %add3A_442 = arith.addi %add3A_441, %iota3A : vector<16xi32>
    %lt3A_443 = arith.cmpi slt, %add3A_442, %gather3A_140 : vector<16xi32>
    %sub3A_444 = arith.constant 1.000000e+00 : f32
    %sub3A_445 = vector.broadcast %sub3A_444 : f32 to vector<16xf32>
    %sub3A_446 = arith.subf %sub3A_445, %get3A_438 : vector<16xf32>
    %jit3A_447 = arith.constant 1.000000e+00 : f32
    %broadcast_in_dim3A_448 = vector.broadcast %jit3A_447 : f32 to vector<16xf32>
    %select_n3A_449 = arith.select %lt3A_443, %sub3A_446, %broadcast_in_dim3A_448 : vector<16xi1>, vector<16xf32>
    %mul3A_450 = arith.mulf %mul3A_434, %select_n3A_449 : vector<16xf32>
    %dma_wait3A_451 = arith.constant 7 : i32
    %dma_wait3A_452 = arith.constant 7 : i32
    %dma_wait3A_453 = arith.constant 0 : i32
    %dma_wait3A_454 = tpu.memref_slice %arg7[%dma_wait3A_451, %dma_wait3A_453] : memref<8x32xf32, #tpu.memory_space<vmem>> -> memref<1x32xf32, #tpu.memory_space<vmem>>
    %dma_wait3A_455 = tpu.memref_squeeze %dma_wait3A_454 : memref<1x32xf32, #tpu.memory_space<vmem>> -> memref<32xf32, #tpu.memory_space<vmem>>
    %dma_wait3A_456 = arith.constant 224 : i32
    %dma_wait3A_457 = tpu.memref_slice %arg6[%dma_wait3A_456] : memref<256xi32, #tpu.memory_space<vmem>> -> memref<32xi32, #tpu.memory_space<vmem>>
    %dma_wait3A_458 = tpu.memref_slice %arg2[%multiple_of3A_32] : memref<131072xf32, #tpu.memory_space<hbm>> -> memref<8192xf32, #tpu.memory_space<hbm>>
    %dma_wait3A_459 = arith.constant 0 : i32
    %dma_wait3A_460 = tpu.memref_slice %dma_wait3A_458[%dma_wait3A_459] : memref<8192xf32, #tpu.memory_space<hbm>> -> memref<8192xf32, #tpu.memory_space<hbm>>
    %dma_wait3A_461 = tpu.memref_slice %arg13[%dma_wait3A_452] : memref<8x!tpu.dma_semaphore, #tpu.memory_space<semaphore_mem>> -> memref<1x!tpu.dma_semaphore, #tpu.memory_space<semaphore_mem>>
    %dma_wait3A_462 = tpu.memref_squeeze %dma_wait3A_461 : memref<1x!tpu.dma_semaphore, #tpu.memory_space<semaphore_mem>> -> memref<!tpu.dma_semaphore, #tpu.memory_space<semaphore_mem>>
    tpu.wait_indirect_dma semaphore(%dma_wait3A_462 : memref<!tpu.dma_semaphore, #tpu.memory_space<semaphore_mem>>) src(%dma_wait3A_460 : memref<8192xf32, #tpu.memory_space<hbm>>) dst(%dma_wait3A_455 : memref<32xf32, #tpu.memory_space<vmem>>)
    %get3A_463 = arith.constant 7 : i32
    %get3A_464 = arith.index_cast %get3A_463 : i32 to index
    %get3A_465 = arith.constant 0 : index
    %get3A_466 = tpu.vector_load %arg7[%get3A_464, %get3A_465] {strides = array<i32>} : memref<8x32xf32, #tpu.memory_space<vmem>>, vector<16xf32>,
    %add3A_467 = arith.constant 224 : i32
    %add3A_468 = arith.addi %multiple_of3A, %add3A_467 : i32
    %add3A_469 = vector.broadcast %add3A_468 : i32 to vector<16xi32>
    %add3A_470 = arith.addi %add3A_469, %iota3A : vector<16xi32>
    %lt3A_471 = arith.cmpi slt, %add3A_470, %gather3A_140 : vector<16xi32>
    %sub3A_472 = arith.constant 1.000000e+00 : f32
    %sub3A_473 = vector.broadcast %sub3A_472 : f32 to vector<16xf32>
    %sub3A_474 = arith.subf %sub3A_473, %get3A_466 : vector<16xf32>
    %jit3A_475 = arith.constant 1.000000e+00 : f32
    %broadcast_in_dim3A_476 = vector.broadcast %jit3A_475 : f32 to vector<16xf32>
    %select_n3A_477 = arith.select %lt3A_471, %sub3A_474, %broadcast_in_dim3A_476 : vector<16xi1>, vector<16xf32>
    %mul3A_478 = arith.mulf %mul3A_450, %select_n3A_477 : vector<16xf32>
    %get3A_479 = arith.constant 7 : i32
    %get3A_480 = arith.index_cast %get3A_479 : i32 to index
    %get3A_481 = arith.constant 16 : index
    %get3A_482 = tpu.vector_load %arg7[%get3A_480, %get3A_481] {strides = array<i32>} : memref<8x32xf32, #tpu.memory_space<vmem>>, vector<16xf32>,
    %add3A_483 = arith.constant 240 : i32
    %add3A_484 = arith.addi %multiple_of3A, %add3A_483 : i32
    %add3A_485 = vector.broadcast %add3A_484 : i32 to vector<16xi32>
    %add3A_486 = arith.addi %add3A_485, %iota3A : vector<16xi32>
    %lt3A_487 = arith.cmpi slt, %add3A_486, %gather3A_140 : vector<16xi32>
    %sub3A_488 = arith.constant 1.000000e+00 : f32
    %sub3A_489 = vector.broadcast %sub3A_488 : f32 to vector<16xf32>
    %sub3A_490 = arith.subf %sub3A_489, %get3A_482 : vector<16xf32>
    %jit3A_491 = arith.constant 1.000000e+00 : f32
    %broadcast_in_dim3A_492 = vector.broadcast %jit3A_491 : f32 to vector<16xf32>
    %select_n3A_493 = arith.select %lt3A_487, %sub3A_490, %broadcast_in_dim3A_492 : vector<16xi1>, vector<16xf32>
    %mul3A_494 = arith.mulf %mul3A_478, %select_n3A_493 : vector<16xf32>
    %xor3A = arith.constant 1 : i32
    %xor3A_495 = vector.broadcast %xor3A : i32 to vector<16xi32>
    %xor3A_496 = arith.xori %iota3A, %xor3A_495 : vector<16xi32>
    %broadcast_in_dim3A_497 = vector.shape_cast %xor3A_496 : vector<16xi32> to vector<16x1xi32>
    %gather3A_498 = vector.shape_cast %broadcast_in_dim3A_497 : vector<16x1xi32> to vector<16xi32>
    %gather3A_499 = tpu.dynamic_gather %mul3A_494[%gather3A_498] in [0] : vector<16xf32>, vector<16xi32> -> vector<16xf32>
    %mul3A_500 = arith.mulf %mul3A_494, %gather3A_499 : vector<16xf32>
    %xor3A_501 = arith.constant 2 : i32
    %xor3A_502 = vector.broadcast %xor3A_501 : i32 to vector<16xi32>
    %xor3A_503 = arith.xori %iota3A, %xor3A_502 : vector<16xi32>
    %broadcast_in_dim3A_504 = vector.shape_cast %xor3A_503 : vector<16xi32> to vector<16x1xi32>
    %gather3A_505 = vector.shape_cast %broadcast_in_dim3A_504 : vector<16x1xi32> to vector<16xi32>
    %gather3A_506 = tpu.dynamic_gather %mul3A_500[%gather3A_505] in [0] : vector<16xf32>, vector<16xi32> -> vector<16xf32>
    %mul3A_507 = arith.mulf %mul3A_500, %gather3A_506 : vector<16xf32>
    %xor3A_508 = arith.constant 4 : i32
    %xor3A_509 = vector.broadcast %xor3A_508 : i32 to vector<16xi32>
    %xor3A_510 = arith.xori %iota3A, %xor3A_509 : vector<16xi32>
    %broadcast_in_dim3A_511 = vector.shape_cast %xor3A_510 : vector<16xi32> to vector<16x1xi32>
    %gather3A_512 = vector.shape_cast %broadcast_in_dim3A_511 : vector<16x1xi32> to vector<16xi32>
    %gather3A_513 = tpu.dynamic_gather %mul3A_507[%gather3A_512] in [0] : vector<16xf32>, vector<16xi32> -> vector<16xf32>
    %mul3A_514 = arith.mulf %mul3A_507, %gather3A_513 : vector<16xf32>
    %xor3A_515 = arith.constant 8 : i32
    %xor3A_516 = vector.broadcast %xor3A_515 : i32 to vector<16xi32>
    %xor3A_517 = arith.xori %iota3A, %xor3A_516 : vector<16xi32>
    %broadcast_in_dim3A_518 = vector.shape_cast %xor3A_517 : vector<16xi32> to vector<16x1xi32>
    %gather3A_519 = vector.shape_cast %broadcast_in_dim3A_518 : vector<16x1xi32> to vector<16xi32>
    %gather3A_520 = tpu.dynamic_gather %mul3A_514[%gather3A_519] in [0] : vector<16xf32>, vector<16xi32> -> vector<16xf32>
    %mul3A_521 = arith.mulf %mul3A_514, %gather3A_520 : vector<16xf32>
    %swap3A = arith.constant 0 : index
    %swap3A_522 = tpu.vector_load %arg9[%swap3A] {strides = array<i32>} : memref<16xf32, #tpu.memory_space<vmem>>, vector<16xf32>,
    tpu.vector_store %arg9[%swap3A], %mul3A_521 {strides = array<i32>} : memref<16xf32, #tpu.memory_space<vmem>>, vector<16xf32>,
    "tpu.region"() ({
      %run_scoped3A = tpu.sem_alloc : memref<!tpu.dma_semaphore, #tpu.memory_space<semaphore_mem>>
      %dma_start3A_526 = arith.constant 0 : i32
      %dma_start3A_527 = tpu.memref_slice %arg12[%arg1, %dma_start3A_526] : memref<16x16xf32, #tpu.memory_space<vmem_shared>> -> memref<1x16xf32, #tpu.memory_space<vmem_shared>>
      %dma_start3A_528 = tpu.memref_squeeze %dma_start3A_527 : memref<1x16xf32, #tpu.memory_space<vmem_shared>> -> memref<16xf32, #tpu.memory_space<vmem_shared>>
      %dma_start3A_529 = arith.constant 0 : i32
      %dma_start3A_530 = tpu.memref_slice %arg12[%arg1, %dma_start3A_529] : memref<16x16xf32, #tpu.memory_space<vmem_shared>> -> memref<1x16xf32, #tpu.memory_space<vmem_shared>>
      %dma_start3A_531 = tpu.memref_squeeze %dma_start3A_530 : memref<1x16xf32, #tpu.memory_space<vmem_shared>> -> memref<16xf32, #tpu.memory_space<vmem_shared>>
      tpu.enqueue_dma source(%arg9 : memref<16xf32, #tpu.memory_space<vmem>>) target(%dma_start3A_531 : memref<16xf32, #tpu.memory_space<vmem_shared>>) target_semaphore(%run_scoped3A : memref<!tpu.dma_semaphore, #tpu.memory_space<semaphore_mem>>)
      %dma_wait3A_532 = arith.constant 0 : i32
      %dma_wait3A_533 = tpu.memref_slice %arg12[%arg1, %dma_wait3A_532] : memref<16x16xf32, #tpu.memory_space<vmem_shared>> -> memref<1x16xf32, #tpu.memory_space<vmem_shared>>
      %dma_wait3A_534 = tpu.memref_squeeze %dma_wait3A_533 : memref<1x16xf32, #tpu.memory_space<vmem_shared>> -> memref<16xf32, #tpu.memory_space<vmem_shared>>
      %dma_wait3A_535 = arith.constant 0 : i32
      %dma_wait3A_536 = tpu.memref_slice %arg12[%arg1, %dma_wait3A_535] : memref<16x16xf32, #tpu.memory_space<vmem_shared>> -> memref<1x16xf32, #tpu.memory_space<vmem_shared>>
      %dma_wait3A_537 = tpu.memref_squeeze %dma_wait3A_536 : memref<1x16xf32, #tpu.memory_space<vmem_shared>> -> memref<16xf32, #tpu.memory_space<vmem_shared>>
      tpu.wait_dma2 semaphore(%run_scoped3A : memref<!tpu.dma_semaphore, #tpu.memory_space<semaphore_mem>>) src(%arg9 : memref<16xf32, #tpu.memory_space<vmem>>) dst(%dma_wait3A_537 : memref<16xf32, #tpu.memory_space<vmem_shared>>)
      tpu.yield
    }) : () -> ()
    %barrier3A = arith.constant 0 : index
    tpu.barrier barrier_id(%barrier3A)
    %eq3A_523 = arith.constant 0 : i32
    %eq3A_524 = arith.cmpi eq, %arg1, %eq3A_523 : i32
    %convert_element_type3A = arith.extui %eq3A_524 : i1 to i32
    %cond3A = arith.constant 0 : i32
    %cond3A_525 = arith.cmpi ne, %convert_element_type3A, %cond3A : i32
    scf.if %cond3A_525 {
      "tpu.region"() ({
        %run_scoped3A = tpu.sem_alloc : memref<!tpu.dma_semaphore, #tpu.memory_space<semaphore_mem>>
        tpu.enqueue_dma source(%arg12 : memref<16x16xf32, #tpu.memory_space<vmem_shared>>) target(%arg10 : memref<16x16xf32, #tpu.memory_space<vmem>>) target_semaphore(%run_scoped3A : memref<!tpu.dma_semaphore, #tpu.memory_space<semaphore_mem>>)
        tpu.wait_dma2 semaphore(%run_scoped3A : memref<!tpu.dma_semaphore, #tpu.memory_space<semaphore_mem>>) src(%arg12 : memref<16x16xf32, #tpu.memory_space<vmem_shared>>) dst(%arg10 : memref<16x16xf32, #tpu.memory_space<vmem>>)
        tpu.yield
      }) : () -> ()
      %get3A_526 = arith.constant 0 : i32
      %get3A_527 = arith.index_cast %get3A_526 : i32 to index
      %get3A_528 = arith.constant 0 : index
      %get3A_529 = tpu.vector_load %arg10[%get3A_527, %get3A_528] {strides = array<i32>} : memref<16x16xf32, #tpu.memory_space<vmem>>, vector<16xf32>,
      %get3A_530 = arith.constant 8 : i32
      %get3A_531 = arith.index_cast %get3A_530 : i32 to index
      %get3A_532 = arith.constant 0 : index
      %get3A_533 = tpu.vector_load %arg10[%get3A_531, %get3A_532] {strides = array<i32>} : memref<16x16xf32, #tpu.memory_space<vmem>>, vector<16xf32>,
      %get3A_534 = arith.constant 1 : i32
      %get3A_535 = arith.index_cast %get3A_534 : i32 to index
      %get3A_536 = arith.constant 0 : index
      %get3A_537 = tpu.vector_load %arg10[%get3A_535, %get3A_536] {strides = array<i32>} : memref<16x16xf32, #tpu.memory_space<vmem>>, vector<16xf32>,
      %mul3A_538 = arith.mulf %get3A_529, %get3A_537 : vector<16xf32>
      %get3A_539 = arith.constant 9 : i32
      %get3A_540 = arith.index_cast %get3A_539 : i32 to index
      %get3A_541 = arith.constant 0 : index
      %get3A_542 = tpu.vector_load %arg10[%get3A_540, %get3A_541] {strides = array<i32>} : memref<16x16xf32, #tpu.memory_space<vmem>>, vector<16xf32>,
      %mul3A_543 = arith.mulf %get3A_533, %get3A_542 : vector<16xf32>
      %get3A_544 = arith.constant 2 : i32
      %get3A_545 = arith.index_cast %get3A_544 : i32 to index
      %get3A_546 = arith.constant 0 : index
      %get3A_547 = tpu.vector_load %arg10[%get3A_545, %get3A_546] {strides = array<i32>} : memref<16x16xf32, #tpu.memory_space<vmem>>, vector<16xf32>,
      %mul3A_548 = arith.mulf %mul3A_538, %get3A_547 : vector<16xf32>
      %get3A_549 = arith.constant 10 : i32
      %get3A_550 = arith.index_cast %get3A_549 : i32 to index
      %get3A_551 = arith.constant 0 : index
      %get3A_552 = tpu.vector_load %arg10[%get3A_550, %get3A_551] {strides = array<i32>} : memref<16x16xf32, #tpu.memory_space<vmem>>, vector<16xf32>,
      %mul3A_553 = arith.mulf %mul3A_543, %get3A_552 : vector<16xf32>
      %get3A_554 = arith.constant 3 : i32
      %get3A_555 = arith.index_cast %get3A_554 : i32 to index
      %get3A_556 = arith.constant 0 : index
      %get3A_557 = tpu.vector_load %arg10[%get3A_555, %get3A_556] {strides = array<i32>} : memref<16x16xf32, #tpu.memory_space<vmem>>, vector<16xf32>,
      %mul3A_558 = arith.mulf %mul3A_548, %get3A_557 : vector<16xf32>
      %get3A_559 = arith.constant 11 : i32
      %get3A_560 = arith.index_cast %get3A_559 : i32 to index
      %get3A_561 = arith.constant 0 : index
      %get3A_562 = tpu.vector_load %arg10[%get3A_560, %get3A_561] {strides = array<i32>} : memref<16x16xf32, #tpu.memory_space<vmem>>, vector<16xf32>,
      %mul3A_563 = arith.mulf %mul3A_553, %get3A_562 : vector<16xf32>
      %get3A_564 = arith.constant 4 : i32
      %get3A_565 = arith.index_cast %get3A_564 : i32 to index
      %get3A_566 = arith.constant 0 : index
      %get3A_567 = tpu.vector_load %arg10[%get3A_565, %get3A_566] {strides = array<i32>} : memref<16x16xf32, #tpu.memory_space<vmem>>, vector<16xf32>,
      %mul3A_568 = arith.mulf %mul3A_558, %get3A_567 : vector<16xf32>
      %get3A_569 = arith.constant 12 : i32
      %get3A_570 = arith.index_cast %get3A_569 : i32 to index
      %get3A_571 = arith.constant 0 : index
      %get3A_572 = tpu.vector_load %arg10[%get3A_570, %get3A_571] {strides = array<i32>} : memref<16x16xf32, #tpu.memory_space<vmem>>, vector<16xf32>,
      %mul3A_573 = arith.mulf %mul3A_563, %get3A_572 : vector<16xf32>
      %get3A_574 = arith.constant 5 : i32
      %get3A_575 = arith.index_cast %get3A_574 : i32 to index
      %get3A_576 = arith.constant 0 : index
      %get3A_577 = tpu.vector_load %arg10[%get3A_575, %get3A_576] {strides = array<i32>} : memref<16x16xf32, #tpu.memory_space<vmem>>, vector<16xf32>,
      %mul3A_578 = arith.mulf %mul3A_568, %get3A_577 : vector<16xf32>
      %get3A_579 = arith.constant 13 : i32
      %get3A_580 = arith.index_cast %get3A_579 : i32 to index
      %get3A_581 = arith.constant 0 : index
      %get3A_582 = tpu.vector_load %arg10[%get3A_580, %get3A_581] {strides = array<i32>} : memref<16x16xf32, #tpu.memory_space<vmem>>, vector<16xf32>,
      %mul3A_583 = arith.mulf %mul3A_573, %get3A_582 : vector<16xf32>
      %get3A_584 = arith.constant 6 : i32
      %get3A_585 = arith.index_cast %get3A_584 : i32 to index
      %get3A_586 = arith.constant 0 : index
      %get3A_587 = tpu.vector_load %arg10[%get3A_585, %get3A_586] {strides = array<i32>} : memref<16x16xf32, #tpu.memory_space<vmem>>, vector<16xf32>,
      %mul3A_588 = arith.mulf %mul3A_578, %get3A_587 : vector<16xf32>
      %get3A_589 = arith.constant 14 : i32
      %get3A_590 = arith.index_cast %get3A_589 : i32 to index
      %get3A_591 = arith.constant 0 : index
      %get3A_592 = tpu.vector_load %arg10[%get3A_590, %get3A_591] {strides = array<i32>} : memref<16x16xf32, #tpu.memory_space<vmem>>, vector<16xf32>,
      %mul3A_593 = arith.mulf %mul3A_583, %get3A_592 : vector<16xf32>
      %get3A_594 = arith.constant 7 : i32
      %get3A_595 = arith.index_cast %get3A_594 : i32 to index
      %get3A_596 = arith.constant 0 : index
      %get3A_597 = tpu.vector_load %arg10[%get3A_595, %get3A_596] {strides = array<i32>} : memref<16x16xf32, #tpu.memory_space<vmem>>, vector<16xf32>,
      %mul3A_598 = arith.mulf %mul3A_588, %get3A_597 : vector<16xf32>
      %get3A_599 = arith.constant 15 : i32
      %get3A_600 = arith.index_cast %get3A_599 : i32 to index
      %get3A_601 = arith.constant 0 : index
      %get3A_602 = tpu.vector_load %arg10[%get3A_600, %get3A_601] {strides = array<i32>} : memref<16x16xf32, #tpu.memory_space<vmem>>, vector<16xf32>,
      %mul3A_603 = arith.mulf %mul3A_593, %get3A_602 : vector<16xf32>
      %sub3A_604 = arith.constant 2.000000e+00 : f32
      %sub3A_605 = vector.broadcast %sub3A_604 : f32 to vector<16xf32>
      %sub3A_606 = arith.subf %sub3A_605, %mul3A_598 : vector<16xf32>
      %sub3A_607 = arith.subf %sub3A_606, %mul3A_603 : vector<16xf32>
      %swap3A_608 = arith.constant 0 : index
      %swap3A_609 = tpu.vector_load %arg11[%swap3A_608] {strides = array<i32>} : memref<16xf32, #tpu.memory_space<vmem>>, vector<16xf32>,
      tpu.vector_store %arg11[%swap3A_608], %sub3A_607 {strides = array<i32>} : memref<16xf32, #tpu.memory_space<vmem>>, vector<16xf32>,
      "tpu.region"() ({
        %run_scoped3A = tpu.sem_alloc : memref<!tpu.dma_semaphore, #tpu.memory_space<semaphore_mem>>
        %dma_start3A_610 = arith.constant 0 : i32
        %dma_start3A_611 = tpu.memref_slice %arg11[%dma_start3A_610] : memref<16xf32, #tpu.memory_space<vmem>> -> memref<1xf32, #tpu.memory_space<vmem>>
        %dma_start3A_612 = arith.constant 0 : i32
        %dma_start3A_613 = tpu.memref_slice %arg11[%dma_start3A_612] : memref<16xf32, #tpu.memory_space<vmem>> -> memref<1xf32, #tpu.memory_space<vmem>>
        tpu.enqueue_dma source(%dma_start3A_613 : memref<1xf32, #tpu.memory_space<vmem>>) target(%arg5 : memref<1xf32, #tpu.memory_space<hbm>>) target_semaphore(%run_scoped3A : memref<!tpu.dma_semaphore, #tpu.memory_space<semaphore_mem>>)
        %dma_wait3A_614 = arith.constant 0 : i32
        %dma_wait3A_615 = tpu.memref_slice %arg11[%dma_wait3A_614] : memref<16xf32, #tpu.memory_space<vmem>> -> memref<1xf32, #tpu.memory_space<vmem>>
        %dma_wait3A_616 = arith.constant 0 : i32
        %dma_wait3A_617 = tpu.memref_slice %arg11[%dma_wait3A_616] : memref<16xf32, #tpu.memory_space<vmem>> -> memref<1xf32, #tpu.memory_space<vmem>>
        tpu.wait_dma2 semaphore(%run_scoped3A : memref<!tpu.dma_semaphore, #tpu.memory_space<semaphore_mem>>) src(%dma_wait3A_617 : memref<1xf32, #tpu.memory_space<vmem>>) dst(%arg5 : memref<1xf32, #tpu.memory_space<hbm>>)
        tpu.yield
      }) : () -> ()
    } else {
    }
    return
  }
}

</mosaic_0001>

<sc_bundles>
// kernel: kernel.3.cloned.1.call-start
scs
__scs_entry_jumppad:
0x0: {  	(pc) =	sbr.rel $0x88, $3  }
0x1: {  	(tag) =	ssettag $0x0;
	lr =	simm.s32 $0x1  }
0x2: {  	[smem:$0x3F9E] =	sst lr;
	_ =	strace $0xD0000000  }
0x3: {  	_ = 	snop  }
0x4: {  	_ = 	snop  }
0x5: {  	_ = 	snop  }
0x6: {  	_ = 	snop  }
0x7: {  	_ = 	snop  }
__scs_overlays_trampoline_lowered:
0x8: {  	[smem:$0x3FAD] =	sst s0  }
0x9: {  	[smem:$0x3FAE] =	sst s1  }
0xa: {  	[smem:$0x3FAF] =	sst s2  }
0xb: {  	[smem:$0x3FB0] =	sst s3  }
0xc: {  	[smem:$0x3FB1] =	sst s4  }
0xd: {  	[smem:$0x3FB2] =	sst s5  }
0xe: {  	[smem:$0x3FB3] =	sst s6  }
0xf: {  	[smem:$0x3FB4] =	sst s7  }
0x10: {  	[smem:$0x3FB5] =	sst s8  }
0x11: {  	[smem:$0x3FB6] =	sst s9;
	s0 =	simm.s32 @!p0 $0x0  }
0x12: {  	s1 =	sld [smem:$0x3F9C];
	s0 =	simm.s32 @p0 $0x1  }
0x13: {  	[smem:$0x3FB7] =	sst s0;
	s0 =	simm.s32 @!p1 $0x0  }
0x14: {  	s2 =	sld [smem:$0x3F9B];
	s0 =	simm.s32 @p1 $0x1  }
0x15: {  	[smem:$0x3FB8] =	sst s0;
	s0 =	simm.s32 @!p2 $0x0  }
0x16: {  	s3 =	sld [smem:$0x3FDB];
	s0 =	simm.s32 @p2 $0x1  }
0x17: {  	s4 =	simm.s32 $0x1BF5;
	[smem:$0x3FBA] =	sst s0  }
0x18: {  	s0 =	sld [smem:$0x3F9D];
	_ =	swait.ge [sflag:s4], $0x0  }
0x19: {  	s7 =	sld [smem:$0x3F9E]  }
0x1a: {  	s8 =	sadd.s32 $0xFFFFE003, lr  }
0x1b: {  	s9 =	sadd.s32 $0xFFFFFEF7, lr;
	s5 =	simm.s32 $0xFFFFFFFF;
	p2 =	slt.u32 s8, $0xFFFFF086  }
0x1c: {  	p1 =	slt.u32 s9, $0xF7A;
	s5 =	simm.s32 @!p2 $0x0  }
0x1d: {  	s5 =	simm.s32 @p1 $0x1;
	p0 =	seq.s32 s7, s2  }
0x1e: {  	s7 =	smul.u32 @!p0 $0xF7A, s2;
	p2 =	seq.s32 @!p0 s5, $0x0  }
0x1f: {  	s9 =	smul.u32 $0xF7A, s1;
	s8 =	simm.s32 @!p0 $0x1BF5;
	p2 =	por !p2, p0  }
0x20: {  	[sflag:s8] =	ssyncset.s32 @!p0 $0xFFFFF086;
	s6 =	sadd.s32 @!p0 s3, s7;
	s7 =	simm.s32 @!p0 $0x108  }
0x21: {  	s3 =	sadd.s32 s3, s9;
	s6 =	sadd.s32 @!p0 $0x88, s6;
	s7 =	simm.s32 @p2 $0x1082  }
0x22: {  	[simem:s7], [sflag:s8] =	dma.local @!p0 [hbm:s6], $0xF7A  }
0x23: {  	s9 =	sor.u32 $0xD0000000, s2;
	s6 =	simm.s32 $0x108;
	_ =	swait.ge @!p0 [sflag:s8], $0x0  }
0x24: {  	s3 =	sadd.s32 $0x88, s3;
	s6 =	simm.s32 @!p1 $0x1082;
	[sflag:s4] =	ssyncset.s32 $0xFFFFF086  }
0x25: {  	[simem:s6], [sflag:s4] =	dma.local [hbm:s3], $0xF7A  }
0x26: {  	[smem:$0x3F9E] =	sst s1;
	(tag) =	ssettag s2;
	_ =	strace s9  }
0x27: {  	s1 =	sld [smem:$0x3FAE]  }
0x28: {  	s2 =	sld [smem:$0x3FAF]  }
0x29: {  	s4 =	sld [smem:$0x3FB1]  }
0x2a: {  	p0 =	seq.s32 s5, $0x0;
	s5 =	sld [smem:$0x3FB2]  }
0x2b: {  	s6 =	sld [smem:$0x3FB3]  }
0x2c: {  	s7 =	sld [smem:$0x3FB4]  }
0x2d: {  	s3 =	simm.s32 $0x108;
	s8 =	sld [smem:$0x3FB5]  }
0x2e: {  	s3 =	simm.s32 @!p0 $0x1082;
	s9 =	sld [smem:$0x3FB6]  }
0x2f: {  	lr =	sadd.s32 s0, s3;
	s0 =	sld [smem:$0x3FAD]  }
0x30: {  	s3 =	sld [smem:$0x3FB0]  }
0x31: {  	[smem:$0x3FB9] =	sst s10  }
0x32: {  	s10 =	sld [smem:$0x3FB7];
	_ =	sdelay $0x3  }
0x33: {  	p0 =	seq.s32 s10, $0x1;
	s10 =	sld [smem:$0x3FB9];
	_ =	sdelay $0x3  }
0x34: {  	[smem:$0x3FB9] =	sst s10  }
0x35: {  	s10 =	sld [smem:$0x3FB8];
	_ =	sdelay $0x3  }
0x36: {  	p1 =	seq.s32 s10, $0x1;
	s10 =	sld [smem:$0x3FB9];
	_ =	sdelay $0x3  }
0x37: {  	[smem:$0x3FB9] =	sst s10  }
0x38: {  	s10 =	sld [smem:$0x3FBA]  }
0x39: {  	_ = 	snop;
	(pc) =	sbr.ind lr, $3  }
0x3a: {  	_ = 	snop  }
0x3b: {  	_ = 	snop  }
0x3c: {  	p2 =	seq.s32 s10, $0x1;
	s10 =	sld [smem:$0x3FB9]  }
0x3d: {  	_ =	shalt  }
0x3e: {  	_ =	shalt  }
0x3f: {  	_ =	shalt  }
0x40: {  	_ =	shalt  }
0x41: {  	_ =	shalt  }
0x42: {  	_ =	shalt  }
0x43: {  	_ =	shalt  }
0x44: {  	_ =	shalt  }
0x45: {  	_ =	shalt  }
0x46: {  	_ =	shalt  }
0x47: {  	_ =	shalt  }
0x48: {  	_ =	shalt  }
0x49: {  	_ =	shalt  }
0x4a: {  	_ =	shalt  }
0x4b: {  	_ =	shalt  }
0x4c: {  	_ =	shalt  }
0x4d: {  	_ =	shalt  }
0x4e: {  	_ =	shalt  }
0x4f: {  	_ =	shalt  }
0x50: {  	_ =	shalt  }
0x51: {  	_ =	shalt  }
0x52: {  	_ =	shalt  }
0x53: {  	_ =	shalt  }
0x54: {  	_ =	shalt  }
0x55: {  	_ =	shalt  }
0x56: {  	_ =	shalt  }
0x57: {  	_ =	shalt  }
0x58: {  	_ =	shalt  }
0x59: {  	_ =	shalt  }
0x5a: {  	_ =	shalt  }
0x5b: {  	_ =	shalt  }
0x5c: {  	_ =	shalt  }
0x5d: {  	_ =	shalt  }
0x5e: {  	_ =	shalt  }
0x5f: {  	_ =	shalt  }
0x60: {  	_ =	shalt  }
0x61: {  	_ =	shalt  }
0x62: {  	_ =	shalt  }
0x63: {  	_ =	shalt  }
0x64: {  	_ =	shalt  }
0x65: {  	_ =	shalt  }
0x66: {  	_ =	shalt  }
0x67: {  	_ =	shalt  }
0x68: {  	_ =	shalt  }
0x69: {  	_ =	shalt  }
0x6a: {  	_ =	shalt  }
0x6b: {  	_ =	shalt  }
0x6c: {  	_ =	shalt  }
0x6d: {  	_ =	shalt  }
0x6e: {  	_ =	shalt  }
0x6f: {  	_ =	shalt  }
0x70: {  	_ =	shalt  }
0x71: {  	_ =	shalt  }
0x72: {  	_ =	shalt  }
0x73: {  	_ =	shalt  }
0x74: {  	_ =	shalt  }
0x75: {  	_ =	shalt  }
0x76: {  	_ =	shalt  }
0x77: {  	_ =	shalt  }
0x78: {  	_ =	shalt  }
0x79: {  	_ =	shalt  }
0x7a: {  	_ =	shalt  }
0x7b: {  	_ =	shalt  }
0x7c: {  	_ =	shalt  }
0x7d: {  	_ =	shalt  }
0x7e: {  	_ =	shalt  }
0x7f: {  	_ =	shalt  }
0x80: {  	_ =	shalt  }
0x81: {  	_ =	shalt  }
0x82: {  	_ =	shalt  }
0x83: {  	_ =	shalt  }
0x84: {  	_ =	shalt  }
0x85: {  	_ =	shalt  }
0x86: {  	_ =	shalt  }
0x87: {  	_ =	shalt  }
.Lfunc_end0:
.L_simem_size_0:
called_computation_lowered:
.L_overlay_start_0:
0x88: {  	s0 =	sld [smem:$0x3FD9]  }
0x89: {  	s1 =	sld [smem:$0x3FFE];
	_ =	sdelay $0x3  }
0x8a: {  	s0 =	sadd.s32 s1, s0  }
0x8b: {  	[smem:$0x3FC5] =	sst s0  }
0x8c: {  	_ = 	snop  }
0x8d: {  	s0 =	sld [smem:$0x3FC8]  }
0x8e: {  	s16 =	sld [smem:$0x3FC7]  }
0x8f: {  	s2 =	sld [smem:$0x3FD0];
	(tm) =	ssettm $0x1  }
0x90: {  	s3 =	sld [smem:$0x3FFB];
	_ =	sdelay $0x3  }
0x91: {  	_ =	strace s3  }
0x92: {  	s3 =	sld [smem:$0x3FFC];
	_ =	sdelay $0x3  }
0x93: {  	_ =	strace s3  }
0x94: {  	s3 =	sld [smem:$0x3FFD];
	_ =	sdelay $0x3  }
0x95: {  	_ =	strace s3  }
0x96: {  	_ =	strace $0x8FFFFFFF  }
0x97: {  	s17 =	sld [smem:$0x3FDB];
	_ =	sdelay $0x1  }
0x98: {  	s4 =	simm.s32 $_scs_section_size  }
0x99: {  	s5 =	simm.s32 $_size__tile_overlayer_lowered;
	s6 =	simm.s32 $_tile_overlayer_lowered  }
0x9a: {  	s20 =	simm.s32 $0x1BFF;
	s19 =	sshll.u32 s6, $0x1;
	s3 =	sadd.s32 s4, s17  }
0x9b: {  	s7 =	simm.s32 $0x0;
	s18 =	sshll.u32 s5, $0x1;
	s5 =	sadd.s32 s19, s3  }
0x9c: {  	[timem:s7], [sflag:s20] =	dma.local [hbm:s5], s18  }
0x9d: {  	_ =	swait.ge [sflag:s20], s18  }
0x9e: {  	s4 =	ssub.s32 $0x0, s18;
	[sflag:s20] =	ssyncset.done $0x0  }
0x9f: {  	[sflag:s20] =	ssyncadd.s32 s4;
	_ =	sdelay $0x1  }
0xa0: {  	s21 =	simm.s32 $0x1B8B  }
0xa1: {  	_ =	swait.ge [sflag:s21], $0x1  }
0xa2: {  	[sflag:s21] =	ssyncset.done $0x0  }
0xa3: {  	s23 =	simm.s32 $0x1B8E;
	s22 =	sld [smem:$0x3FFE];
	[sflag:s21] =	ssyncadd.s32 $0xFFFFFFFF  }
0xa4: {  	s24 =	simm.s32 $execute0_lowered;
	[smem:$0x3FD2] =	sst s23  }
0xa5: {  	s5 =	sshll.u32 s24, $0x1;
	_ =	strace $0x80000046;
	[dreg:$0x1] =	wrdreg $0xFFFFFFFF  }
0xa6: {  	s25 =	simm.s32 $_size_execute0_lowered;
	s3 =	sadd.s32 s3, s5;
	[dreg:$0x0] =	wrdreg $0x0  }
0xa7: {  	s5 =	sshll.u32 s25, $0x1;
	[dreg:$0x2] =	wrdreg s3  }
0xa8: {  	[dreg:$0x3] =	wrdreg s5  }
0xa9: {  	[dreg:$0x4] =	wrdreg $0xC0  }
0xaa: {  	_ =	task [dreg:s7], $0x5FFFF  }
0xab: {  	[dreg:$0x1] =	wrdreg $0xFFFFFFFF  }
0xac: {  	[dreg:$0x0] =	wrdreg $0x60  }
0xad: {  	[dreg:$0x2] =	wrdreg s22  }
0xae: {  	[dreg:$0x3] =	wrdreg s0  }
0xaf: {  	[dreg:$0x4] =	wrdreg s16  }
0xb0: {  	[dreg:$0x5] =	wrdreg s2  }
0xb1: {  	[dreg:$0x6] =	wrdreg $0xE800  }
0xb2: {  	[dreg:$0x7] =	wrdreg $0x9  }
0xb3: {  	_ =	task.clear_ibuf [dreg:s7], $0x8FFFF;
	_ =	strace $0x90000046  }
0xb4: {  	s26 =	simm.s32 $0x9;
	_ =	strace $0x80000048  }
0xb5: {  	_ =	swait.ge [sflag:s26], $0x1  }
0xb6: {  	[sflag:s26] =	ssyncadd.s32 $0xFFFFFFFF  }
0xb7: {  	_ =	strace $0x90000048  }
0xb8: {  	_ =	sfence  }
0xb9: {  	s28 =	sld [smem:$0x0];
	_ =	sdelay $0x1  }
0xba: {  	s29 =	srdreg.scid  }
0xbb: {  	s30 =	sshll.u32 s29, $0xD;
	s31 =	sshrl.u32 s29, $0x2  }
0xbc: {  	s1 =	sand.u32 $0x1, s29;
	s2 =	sand.u32 $0x4000, s30;
	s0 =	sadd.s32 s31, s28  }
0xbd: {  	s1 =	sor.u32 s2, s1;
	s0 =	sshll.u32 s0, $0x11  }
0xbe: {  	s0 =	sor.u32 s0, s1  }
0xbf: {  	s0 =	sadd.s32 $0x8F2B, s0  }
0xc0: {  	[sflag:s0] =	ssyncadd.remote.s32 $0x1  }
0xc1: {  	_ =	sfence.sel $0xFFFF  }
0xc2: {  	[dreg:$0x0] =	wrdreg $0xFFFFFFFF;
	(pc) =	sbr.abs _section_cstart, $3  }
0xc3: {  	[dreg:$0x1] =	wrdreg $0xFFFFFFFF  }
0xc4: {  	_ =	task.clear_ibuf [dreg:s7], $0x2FFFF;
	_ =	strace $0x9FFFFFFF  }
0xc5: {  	(tm) =	ssettm $0x7FFFFFFF  }
tec
execute0_lowered:
.L_overlay_start_1:
0x0: {  	(tag) =	ssettag $0x1  }
0x1: {  	s5 =	rddreg [dreg:$0x0]  }
0x2: {  	s6 =	rddreg [dreg:$0x1]  }
0x3: {  	s7 =	rddreg [dreg:$0x2]  }
0x4: {  	s1 =	rddreg [dreg:$0x3]  }
0x5: {  	s2 =	rddreg [dreg:$0x4]  }
0x6: {  	s0 =	rddreg [dreg:$0x5];
	s8 =	simm.s32 $0x0;
	s3 =	stileid.u32  }
0x7: {  	s13 =	simm.s32 $0x500;
	s14 =	simm.s32 $0x80;
	s9 =	sshrl.u32 s3, $0x3  }
0x8: {  	[smem:$0x7FF] =	sst s8;
	s4 =	sshll.u32 s3, $0x8;
	s10 =	sshll.u32 s9, $0x4  }
0x9: {  	_ =	strace $0x80000047;
	s4 =	sand.u32 $0x700, s4;
	s6 =	sadd.s32 s6, s10  }
0xa: {  	[tilespmem:s13], [sflag:$0xA] =	stream.linear.gather [hbm4b:s7+s8], $0x80, $0x38;
	[tilespmem:$0xE90] =	vst v63  }
0xb: {  	s15 =	simm.s32 $0x400;
	s11 =	simm.s32 $0x9;
	s6 =	sadd.s32 s4, s6  }
0xc: {  	[tilespmem:s8], [sflag:$0x9] =	stream.strided.gather [hbm4b:s6+s14], $0x100, s15, s14, $0x38;
	[tilespmem:$0xE90] =	vst v63  }
0xd: {  	s16 =	sshll.u32 s9, $0xA;
	_ =	swait.ge [sflag:s11], $0x100  }
0xe: {  	s17 =	simm.s32 $0x20;
	s5 =	sadd.s32 s16, s5;
	[sflag:s11] =	ssyncset.done $0x0  }
0xf: {  	s18 =	simm.s32 $0x100;
	s5 =	sadd.s32 $0x400, s5;
	[sflag:s11] =	ssyncadd.s32 $0xFFFFFF00  }
0x10: {  	[tilespmem:s18], [sflag:$0x1] =	stream.indirect.gather [hbm4b:s5+s17], $0x1, s8, s17, $0xb8;
	[tilespmem:$0xE90] =	vst v63  }
0x11: {  	s19 =	simm.s32 $0x180  }
0x12: {  	[tilespmem:s19], [sflag:$0x2] =	stream.indirect.gather [hbm4b:s5+s17], $0x1, s17, s17, $0xb8;
	[tilespmem:$0xE90] =	vst v63  }
0x13: {  	s20 =	simm.s32 $0x40;
	s21 =	simm.s32 $0x200  }
0x14: {  	[tilespmem:s21], [sflag:$0x3] =	stream.indirect.gather [hbm4b:s5+s17], $0x1, s20, s17, $0xb8;
	[tilespmem:$0xE90] =	vst v63  }
0x15: {  	s22 =	simm.s32 $0x60;
	s23 =	simm.s32 $0x280  }
0x16: {  	[tilespmem:s23], [sflag:$0x4] =	stream.indirect.gather [hbm4b:s5+s17], $0x1, s22, s17, $0xb8;
	[tilespmem:$0xE90] =	vst v63  }
0x17: {  	s24 =	simm.s32 $0x300  }
0x18: {  	[tilespmem:s24], [sflag:$0x5] =	stream.indirect.gather [hbm4b:s5+s17], $0x1, s14, s17, $0xb8;
	[tilespmem:$0xE90] =	vst v63  }
0x19: {  	s25 =	simm.s32 $0xA0;
	s26 =	simm.s32 $0x380  }
0x1a: {  	[tilespmem:s26], [sflag:$0x6] =	stream.indirect.gather [hbm4b:s5+s17], $0x1, s25, s17, $0xb8;
	[tilespmem:$0xE90] =	vst v63  }
0x1b: {  	s28 =	simm.s32 $0xC0  }
0x1c: {  	[tilespmem:s15], [sflag:$0x7] =	stream.indirect.gather [hbm4b:s5+s17], $0x1, s28, s17, $0xb8;
	[tilespmem:$0xE90] =	vst v63  }
0x1d: {  	s29 =	simm.s32 $0xE0;
	s30 =	simm.s32 $0x480;
	s31 =	simm.s32 $0xA  }
0x1e: {  	[tilespmem:s30], [sflag:$0x8] =	stream.indirect.gather [hbm4b:s5+s17], $0x1, s29, s17, $0xb8;
	[tilespmem:$0xE90] =	vst v63  }
0x1f: {  	_ =	swait.ge [sflag:s31], $0x80  }
0x20: {  	[sflag:s31] =	ssyncset.done $0x0  }
0x21: {  	s6 =	simm.s32 $0x1;
	[sflag:s31] =	ssyncadd.s32 $0xFFFFFF80  }
0x22: {  	v0 =	vld [tilespmem:$0x500];
	_ =	swait.ge [sflag:s6], $0x20  }
0x23: {  	[sflag:s6] =	ssyncset.done $0x0  }
0x24: {  	[sflag:s6] =	ssyncadd.s32 $0xFFFFFFE0  }
0x25: {  	s7 =	simm.s32 $0x2;
	v1 =	vld [tilespmem:$0x100]  }
0x26: {  	v2 =	vld [tilespmem:$0x110];
	_ =	swait.ge [sflag:s7], $0x20  }
0x27: {  	[sflag:s7] =	ssyncset.done $0x0  }
0x28: {  	[sflag:s7] =	ssyncadd.s32 $0xFFFFFFE0  }
0x29: {  	s8 =	simm.s32 $0x3;
	v3 =	vld [tilespmem:$0x180]  }
0x2a: {  	v8 =	vlaneseq.u32;
	v6 =	vmov s9;
	v4 =	vld [tilespmem:$0x190];
	_ =	swait.ge [sflag:s8], $0x20  }
0x2b: {  	v17 =	vor.u32 s4, v8;
	s10 =	sor.u32 $0x10, s4;
	v0 =	vperm.xlane v0, v6;
	[sflag:s8] =	ssyncset.done $0x0  }
0x2c: {  	v9 =	vor.u32 s10, v8;
	s11 =	sor.u32 $0x20, s4;
	[sflag:s8] =	ssyncadd.s32 $0xFFFFFFE0;
	v1 =	vsub.f32 $1.000000000e+00, v1;
	v2 =	vsub.f32 $1.000000000e+00, v2  }
0x2d: {  	s9 =	simm.s32 $0x4;
	v19 =	vor.u32 s11, v8;
	vm0 =	vlt.s32 v17, v0;
	vm13 =	vlt.s32 v9, v0;
	v5 =	vld [tilespmem:$0x200]  }
0x2e: {  	v7 =	vld [tilespmem:$0x210];
	_ =	swait.ge [sflag:s9], $0x20;
	v1 =	vnsel vm0, $0x3F800000, v1;
	v2 =	vnsel vm13, $0x3F800000, v2;
	v3 =	vsub.f32 $1.000000000e+00, v3  }
0x2f: {  	s13 =	sor.u32 $0x30, s4;
	vm14 =	vlt.s32 v19, v0;
	[sflag:s9] =	ssyncset.done $0x0;
	v1 =	vmul.f32 v2, v1  }
0x30: {  	v20 =	vor.u32 s13, v8;
	[sflag:s9] =	ssyncadd.s32 $0xFFFFFFE0;
	v4 =	vsub.f32 $1.000000000e+00, v4;
	v3 =	vnsel vm14, $0x3F800000, v3  }
0x31: {  	s12 =	simm.s32 $0x5;
	s14 =	sor.u32 $0x40, s4;
	vm15 =	vlt.s32 v20, v0;
	v18 =	vld [tilespmem:$0x280];
	v1 =	vmul.f32 v3, v1  }
0x32: {  	v21 =	vor.u32 s14, v8;
	v10 =	vld [tilespmem:$0x290];
	_ =	swait.ge [sflag:s12], $0x20;
	v22 =	vnsel vm15, $0x3F800000, v4;
	v23 =	vsub.f32 $1.000000000e+00, v5  }
0x33: {  	s15 =	sor.u32 $0x50, s4;
	vm4 =	vlt.s32 v21, v0;
	[sflag:s12] =	ssyncset.done $0x0;
	v1 =	vmul.f32 v22, v1  }
0x34: {  	v26 =	vor.u32 s15, v8;
	[sflag:s12] =	ssyncadd.s32 $0xFFFFFFE0;
	v7 =	vsub.f32 $1.000000000e+00, v7;
	v4 =	vnsel vm4, $0x3F800000, v23  }
0x35: {  	s16 =	simm.s32 $0x6;
	s17 =	sor.u32 $0x60, s4;
	vm5 =	vlt.s32 v26, v0;
	v24 =	vld [tilespmem:$0x300];
	v1 =	vmul.f32 v4, v1  }
0x36: {  	v27 =	vor.u32 s17, v8;
	v25 =	vld [tilespmem:$0x310];
	_ =	swait.ge [sflag:s16], $0x20;
	v28 =	vnsel vm5, $0x3F800000, v7;
	v6 =	vsub.f32 $1.000000000e+00, v18  }
0x37: {  	s18 =	sor.u32 $0x70, s4;
	vm6 =	vlt.s32 v27, v0;
	[sflag:s16] =	ssyncset.done $0x0;
	v1 =	vmul.f32 v28, v1  }
0x38: {  	v30 =	vor.u32 s18, v8;
	[sflag:s16] =	ssyncadd.s32 $0xFFFFFFE0;
	v31 =	vsub.f32 $1.000000000e+00, v10;
	v6 =	vnsel vm6, $0x3F800000, v6  }
0x39: {  	s19 =	simm.s32 $0x7;
	s20 =	sor.u32 $0x80, s4;
	vm7 =	vlt.s32 v30, v0;
	v29 =	vld [tilespmem:$0x380];
	v1 =	vmul.f32 v6, v1  }
0x3a: {  	v33 =	vor.u32 s20, v8;
	v32 =	vld [tilespmem:$0x390];
	_ =	swait.ge [sflag:s19], $0x20;
	v34 =	vnsel vm7, $0x3F800000, v31;
	v5 =	vsub.f32 $1.000000000e+00, v24  }
0x3b: {  	v48 =	vimm.s32 $0xEFCDAB89;
	s21 =	sor.u32 $0x90, s4;
	vm8 =	vlt.s32 v33, v0;
	[sflag:s19] =	ssyncset.done $0x0;
	v1 =	vmul.f32 v34, v1  }
0x3c: {  	v35 =	vor.u32 s21, v8;
	[sflag:s19] =	ssyncadd.s32 $0xFFFFFFE0;
	v2 =	vsub.f32 $1.000000000e+00, v25;
	v5 =	vnsel vm8, $0x3F800000, v5  }
0x3d: {  	v49 =	vimm.s32 $0x67452301;
	s22 =	sor.u32 $0xA0, s4;
	s23 =	simm.s32 $0x8;
	vm9 =	vlt.s32 v35, v0;
	v36 =	vld [tilespmem:$0x400];
	v1 =	vmul.f32 v5, v1  }
0x3e: {  	v38 =	vor.u32 s22, v8;
	v37 =	vld [tilespmem:$0x410];
	_ =	swait.ge [sflag:s23], $0x20;
	v2 =	vnsel vm9, $0x3F800000, v2;
	v3 =	vsub.f32 $1.000000000e+00, v29  }
0x3f: {  	v53 =	vimm.s32 $0xDCFE98BA;
	s24 =	sor.u32 $0xB0, s4;
	vm10 =	vlt.s32 v38, v0;
	[sflag:s23] =	ssyncset.done $0x0;
	v1 =	vmul.f32 v2, v1  }
0x40: {  	v39 =	vor.u32 s24, v8;
	v40 =	vsub.f32 $1.000000000e+00, v32;
	[sflag:s23] =	ssyncadd.s32 $0xFFFFFFE0;
	v3 =	vnsel vm10, $0x3F800000, v3  }
0x41: {  	v54 =	vimm.s32 $0x54761032;
	s25 =	sor.u32 $0xC0, s4;
	vm11 =	vlt.s32 v39, v0;
	v41 =	vld [tilespmem:$0x480];
	v1 =	vmul.f32 v3, v1  }
0x42: {  	s26 =	sor.u32 $0xD0, s4;
	v42 =	vor.u32 s25, v8;
	v5 =	vnsel vm11, $0x3F800000, v40;
	v6 =	vsub.f32 $1.000000000e+00, v36  }
0x43: {  	v43 =	vor.u32 s26, v8;
	s28 =	sor.u32 $0xE0, s4;
	vm12 =	vlt.s32 v42, v0;
	v45 =	vld [tilespmem:$0x490];
	v1 =	vmul.f32 v5, v1  }
0x44: {  	v46 =	vor.u32 s28, v8;
	s4 =	sor.u32 $0xF0, s4;
	v4 =	vsub.f32 $1.000000000e+00, v37;
	v44 =	vnsel vm12, $0x3F800000, v6  }
0x45: {  	v47 =	vor.u32 s4, v8;
	vm13 =	vlt.s32 v43, v0;
	v1 =	vmul.f32 v44, v1  }
0x46: {  	vm14 =	vlt.s32 v46, v0;
	v4 =	vnsel vm13, $0x3F800000, v4;
	v2 =	vsub.f32 $1.000000000e+00, v41  }
0x47: {  	v3 =	vunpack.c.l.s4.s8 v48;
	v1 =	vmul.f32 v4, v1;
	v4 =	vunpack.c.l.s4.s8 v49  }
0x48: {  	vm15 =	vlt.s32 v47, v0;
	v6 =	vsub.f32 $1.000000000e+00, v45;
	v2 =	vnsel vm14, $0x3F800000, v2  }
0x49: {  	v50 =	vunpack.c.0.s8.s32 v3;
	v1 =	vmul.f32 v2, v1;
	v51 =	vunpack.c.0.s8.s32 v4  }
0x4a: {  	v0 =	vnsel vm15, $0x3F800000, v6;
	v3 =	vunpack.c.l.s4.s8 v54;
	v2 =	vunpack.c.l.s4.s8 v53  }
0x4b: {  	v0 =	vmul.f32 v0, v1;
	v52 =	vcombine.low v51, v50  }
0x4c: {  	v3 =	vunpack.c.0.s8.s32 v3;
	v2 =	vunpack.c.0.s8.s32 v2  }
0x4d: {  	v1 =	vperm.xlane v0, v52  }
0x4e: {  	v56 =	vimm.s32 $0xBA98FEDC;
	v57 =	vimm.s32 $0x32107654;
	v55 =	vcombine.low v3, v2  }
0x4f: {  	v2 =	vunpack.c.l.s4.s8 v56;
	v3 =	vunpack.c.l.s4.s8 v57;
	v0 =	vmul.f32 v0, v1  }
0x50: {  	v58 =	vimm.s32 $0xFEDCBA98  }
0x51: {  	v2 =	vunpack.c.0.s8.s32 v2;
	v3 =	vunpack.c.0.s8.s32 v3;
	v1 =	vperm.xlane v0, v55  }
0x52: {  	v59 =	vimm.s32 $0x76543210;
	v4 =	vunpack.c.l.s4.s8 v58  }
0x53: {  	v61 =	vunpack.c.l.s4.s8 v59;
	v60 =	vcombine.low v3, v2;
	v0 =	vmul.f32 v0, v1  }
0x54: {  	v62 =	vunpack.c.0.s8.s32 v4  }
0x55: {  	v2 =	vunpack.c.0.s8.s32 v61;
	v1 =	vperm.xlane v0, v60  }
0x56: {  	v3 =	vand.u32 $0xF, v62  }
0x57: {  	v63 =	vcombine.low v3, v2;
	v0 =	vmul.f32 v0, v1;
	_ =	sdelay $0x1  }
0x58: {  	v1 =	vperm.xlane v0, v63;
	_ =	sdelay $0x1  }
0x59: {  	v0 =	vmul.f32 v0, v1  }
0x5a: {  	s29 =	sshll.u32 s3, $0x7  }
0x5b: {  	s30 =	simm.s32 $0x580;
	s4 =	sadd.s32 s29, s2;
	s31 =	simm.s32 $0xB;
	[tilespmem:$0x580] =	vst v0  }
0x5c: {  	[spmem:s4] =	stream.linear.scatter [tilespmem:s30], [sflag:$0xB], $0x80, $0x38;
	[tilespmem:$0xE90] =	vst v63  }
0x5d: {  	_ =	swait.ge [sflag:s31], $0x80  }
0x5e: {  	[sflag:s31] =	ssyncset.done $0x0  }
0x5f: {  	[sflag:s31] =	ssyncadd.s32 $0xFFFFFF80  }
0x60: {  	p0 =	sne.s32 s3, $0x0;
	[bflag:$0x0] =	sbarrier.arrive $0xFFFF  }
0x61: {  	_ =	sfence.sel @p0 $0x180000  }
0x62: {  	[bflag:$0x0] =	sbarrier.arrive @p0 $0xFFFF  }
0x63: {  	_ =	strace @p0 $0x90000047  }
0x64: {  	s3 =	simm.s32 @!p0 $0x600;
	[bflag:$0x2] =	sbarrier.arrive @p0 $0xFFFF  }
0x65: {  	[tilespmem:s3], [sflag:$0xB] =	stream.linear.gather @!p0 [spmem:s2], $0x800, $0x38;
	[tilespmem:$0xE90] =	vst v63  }
0x66: {  	s2 =	simm.s32 @!p0 $0xB  }
0x67: {  	_ =	swait.ge @!p0 [sflag:s2], $0x800  }
0x68: {  	[sflag:s2] =	ssyncset.done @!p0 $0x0  }
0x69: {  	[sflag:s2] =	ssyncadd.s32 @!p0 $0xFFFFF800  }
0x6a: {  	v0 =	vld @!p0 [tilespmem:$0x600]  }
0x6b: {  	v1 =	vld @!p0 [tilespmem:$0xA00]  }
0x6c: {  	v2 =	vld @!p0 [tilespmem:$0x680]  }
0x6d: {  	v3 =	vld @!p0 [tilespmem:$0xA80]  }
0x6e: {  	v4 =	vld @!p0 [tilespmem:$0x700]  }
0x6f: {  	v5 =	vld @!p0 [tilespmem:$0xB00]  }
0x70: {  	v6 =	vld @!p0 [tilespmem:$0x780]  }
0x71: {  	v7 =	vld @!p0 [tilespmem:$0x800];
	v0 =	vmul.f32 @!p0 v2, v0  }
0x72: {  	v2 =	vld @!p0 [tilespmem:$0xB80]  }
0x73: {  	v1 =	vmul.f32 @!p0 v3, v1;
	v3 =	vld @!p0 [tilespmem:$0xC00];
	v0 =	vmul.f32 @!p0 v4, v0  }
0x74: {  	v4 =	vld @!p0 [tilespmem:$0x880]  }
0x75: {  	v1 =	vmul.f32 @!p0 v5, v1;
	v5 =	vld @!p0 [tilespmem:$0xC80];
	v0 =	vmul.f32 @!p0 v6, v0  }
0x76: {  	v6 =	vld @!p0 [tilespmem:$0x900]  }
0x77: {  	v1 =	vmul.f32 @!p0 v2, v1;
	v2 =	vld @!p0 [tilespmem:$0xD00];
	v0 =	vmul.f32 @!p0 v7, v0  }
0x78: {  	v7 =	vld @!p0 [tilespmem:$0x980]  }
0x79: {  	v1 =	vmul.f32 @!p0 v3, v1;
	v0 =	vmul.f32 @!p0 v4, v0  }
0x7a: {  	v3 =	vld @!p0 [tilespmem:$0xD80]  }
0x7b: {  	v1 =	vmul.f32 @!p0 v5, v1;
	v0 =	vmul.f32 @!p0 v6, v0;
	_ =	sdelay $0x1  }
0x7c: {  	v1 =	vmul.f32 @!p0 v2, v1;
	v0 =	vmul.f32 @!p0 v7, v0;
	_ =	sdelay $0x1  }
0x7d: {  	v1 =	vmul.f32 @!p0 v3, v1;
	v0 =	vsub.f32 @!p0 $2.000000000e+00, v0;
	_ =	sdelay $0x1  }
0x7e: {  	v0 =	vsub.f32 @!p0 v0, v1;
	_ =	sdelay $0x1  }
0x7f: {  	s4 =	simm.s32 @!p0 $0xE00;
	s3 =	simm.s32 @!p0 $0x0;
	[tilespmem:$0xE00] =	vst @!p0 v0  }
0x80: {  	[hbm4b:s1+s3] =	stream.linear.scatter @!p0 [tilespmem:s4], [sflag:$0xB], $0x1, $0x38;
	[tilespmem:$0xE90] =	vst v63  }
0x81: {  	_ =	swait.ge @!p0 [sflag:s2], $0x1  }
0x82: {  	[sflag:s2] =	ssyncset.done @!p0 $0x0  }
0x83: {  	[sflag:s2] =	ssyncadd.s32 @!p0 $0xFFFFFFFF  }
0x84: {  	_ =	sfence.sel @!p0 $0x180000  }
0x85: {  	[bflag:$0x0] =	sbarrier.arrive @!p0 $0xFFFF  }
0x86: {  	_ =	strace @!p0 $0x90000047  }
0x87: {  	s0 =	sadd.s32 @!p0 $0x100000, s0;
	[bflag:$0x2] =	sbarrier.arrive @!p0 $0xFFFF  }
0x88: {  	[sflag:s0] =	ssyncadd.tile.s32 @!p0 $0x1;
	_ =	shalt  }
.Lfunc_end2:
_tile_overlayer_lowered:
.L_overlay_start_2:
0x89: {  	(tag) =	ssettag $0x2  }
0x8a: {  	s0 =	rddreg [dreg:$0x0];
	s2 =	stileid.u32  }
0x8b: {  	s1 =	rddreg [dreg:$0x1];
	p0 =	sne.s32 s2, $0x0  }
0x8c: {  	s3 =	rddreg [dreg:$0x2];
	[bflag:$0x3] =	sbarrier.arrive $0xFFFF;
	s2 =	simm.s32 @!p0 $0x1C0B  }
0x8d: {  	[timem:s3], [sflag:s2] =	dma.local @!p0 [hbm:s0], s1  }
0x8e: {  	s0 =	simm.s32 @!p0 $0xB  }
0x8f: {  	_ =	swait.ge @!p0 [sflag:s0], s1  }
0x90: {  	s1 =	ssub.s32 @!p0 $0x0, s1;
	[sflag:s0] =	ssyncset.done @!p0 $0x0  }
0x91: {  	[sflag:s0] =	ssyncadd.s32 @!p0 s1  }
0x92: {  	[bflag:$0x3] =	sbarrier.arrive $0xFFFF  }
0x93: {  	_ =	shalt  }

</sc_bundles>
